<compile_context>
chip_gen: v7x
topology: tpu7x:2x2x1
jax: 0.10.2.dev20260603
libtpu: 0.0.44.dev20260713+nightly
codegen_flags: <defaults>
</compile_context>

<pallas_src>
import functools

import jax
import jax.numpy as jnp
from jax import lax
from jax.experimental import pallas as pl
from jax.experimental.pallas import tpu as pltpu
from jax.experimental.pallas import tpu_sc as plsc

_N = 10000
_D = 128
_E = 320000
_KAPPA = 0.95

_NC = 2
_NS = 16
_CH = 128
_EPAD = 327680
_NCHUNK = _EPAD // _CH
_CPT_MAIN = _NCHUNK // _NS
_CPT_DEG = _NCHUNK // (_NC * _NS)
_NACC = 10240
_RPT = _NACC // _NS
_DW = 16
_BR = 1000
_DEG_DEPTH = 16


def _sc_mesh():
    return plsc.VectorSubcoreMesh(core_axis_name="c", subcore_axis_name="s")


def _sc_deg_body(dst_hbm, ones_hbm, zeros_hbm, deg_hbm, idx_v, ones_v, acc_sh, sem):
    c = lax.axis_index("c")
    s = lax.axis_index("s")
    pltpu.sync_copy(zeros_hbm, acc_sh.at[pl.ds(s * _RPT, _RPT)])
    pltpu.sync_copy(ones_hbm, ones_v)
    base = (c * _NS + s) * (_CPT_DEG * _CH)
    pltpu.sync_copy(dst_hbm.at[pl.ds(base, _CPT_DEG * _CH)], idx_v)
    plsc.subcore_barrier()

    def step(g, carry):
        idx = idx_v.at[pl.ds(g * _CH, _CH)]
        pltpu.async_copy(ones_v, acc_sh.at[idx], sem, add=True)

        @pl.when(g >= _DEG_DEPTH)
        def _():
            pltpu.make_async_copy(ones_v, acc_sh.at[idx], sem).wait()

        return carry

    lax.fori_loop(0, _CPT_DEG, step, 0)

    def drain(g, carry):
        pltpu.make_async_copy(ones_v, acc_sh.at[idx_v.at[pl.ds(0, _CH)]], sem).wait()
        return carry

    lax.fori_loop(0, _DEG_DEPTH, drain, 0)
    plsc.subcore_barrier()
    pltpu.sync_copy(acc_sh.at[pl.ds(s * _RPT, _RPT)],
                    deg_hbm.at[pl.ds(c * _NACC + s * _RPT, _RPT)])


def _sc_deg(dst2d, ones_m, zeros_m):
    return pl.kernel(
        _sc_deg_body,
        out_type=jax.ShapeDtypeStruct((_NC * _NACC, _D), jnp.float32),
        mesh=_sc_mesh(),
        scratch_types=[
            pltpu.VMEM((_CPT_DEG * _CH,), jnp.int32),
            pltpu.VMEM((_CH, _D), jnp.float32),
            pltpu.VMEM_SHARED((_NACC, _D), jnp.float32),
            pltpu.SemaphoreType.DMA,
        ],
        name="sc_deg",
    )(dst2d, ones_m, zeros_m)


def _sc_main_body(pk_hbm, t_hbm, zeros_hbm, out_hbm,
                  p0, p1, p2, p3, r0, r1,
                  sg0, sg1, ss0, ss1, sp0, sp1, sp2, sp3, acc_sh):
    c = lax.axis_index("c")
    s = lax.axis_index("s")
    rows = (r0, r1)
    sem_g = (sg0, sg1)
    sem_s = (ss0, ss1)
    pbuf = (p0, p1, p2, p3)
    sem_p = (sp0, sp1, sp2, sp3)
    pltpu.sync_copy(zeros_hbm, acc_sh.at[pl.ds(s * _RPT, _RPT)])
    cbase = (c * _NCHUNK + s * _CPT_MAIN) * (2 * _CH)
    pltpu.sync_copy(pk_hbm.at[pl.ds(cbase, 2 * _CH)], p0)
    plsc.subcore_barrier()

    last = _CPT_MAIN - 1
    pltpu.async_copy(t_hbm.at[p0.at[pl.ds(0, _CH)]], r0, sg0)
    pltpu.async_copy(pk_hbm.at[pl.ds(cbase + 2 * _CH, 2 * _CH)], p1, sp1)

    def outer(g, carry):
        for b in range(4):
            i = 4 * g + b
            b2 = b & 1
            nb2 = 1 - b2
            gidx = pbuf[b].at[pl.ds(0, _CH)]
            didx = pbuf[b].at[pl.ds(_CH, _CH)]
            pltpu.make_async_copy(t_hbm.at[gidx], rows[b2], sem_g[b2]).wait()
            pltpu.async_copy(rows[b2], acc_sh.at[didx], sem_s[b2], add=True)

            @pl.when(i < last)
            def _():
                @pl.when(i > 0)
                def _():
                    pltpu.make_async_copy(
                        rows[nb2], acc_sh.at[didx], sem_s[nb2]).wait()

                nxt = (b + 1) & 3
                pltpu.make_async_copy(
                    pk_hbm.at[pl.ds(cbase, 2 * _CH)], pbuf[nxt], sem_p[nxt]).wait()
                pltpu.async_copy(
                    t_hbm.at[pbuf[nxt].at[pl.ds(0, _CH)]], rows[nb2], sem_g[nb2])

                @pl.when(i + 2 <= last)
                def _():
                    n2 = (b + 2) & 3
                    pltpu.async_copy(
                        pk_hbm.at[pl.ds(cbase + (i + 2) * 2 * _CH, 2 * _CH)],
                        pbuf[n2], sem_p[n2])

        return carry

    lax.fori_loop(0, _CPT_MAIN // 4, outer, 0)
    dsl0 = pbuf[0].at[pl.ds(_CH, _CH)]
    pltpu.make_async_copy(r0, acc_sh.at[dsl0], ss0).wait()
    pltpu.make_async_copy(r1, acc_sh.at[dsl0], ss1).wait()
    plsc.subcore_barrier()
    pltpu.sync_copy(acc_sh.at[pl.ds(s * _RPT, _RPT)],
                    out_hbm.at[pl.ds(c * _NACC + s * _RPT, _RPT)])


def _sc_main(packed, table, zeros_m):
    return pl.kernel(
        _sc_main_body,
        out_type=jax.ShapeDtypeStruct((_NC * _NACC, _D), jnp.float32),
        mesh=_sc_mesh(),
        scratch_types=[
            pltpu.VMEM((2 * _CH,), jnp.int32),
            pltpu.VMEM((2 * _CH,), jnp.int32),
            pltpu.VMEM((2 * _CH,), jnp.int32),
            pltpu.VMEM((2 * _CH,), jnp.int32),
            pltpu.VMEM((_CH, _D), jnp.float32),
            pltpu.VMEM((_CH, _D), jnp.float32),
            pltpu.SemaphoreType.DMA,
            pltpu.SemaphoreType.DMA,
            pltpu.SemaphoreType.DMA,
            pltpu.SemaphoreType.DMA,
            pltpu.SemaphoreType.DMA,
            pltpu.SemaphoreType.DMA,
            pltpu.SemaphoreType.DMA,
            pltpu.SemaphoreType.DMA,
            pltpu.VMEM_SHARED((_NACC, _D), jnp.float32),
        ],
        name="sc_main",
    )(packed, table, zeros_m)


def _tc_prep1_body(feat_ref, emb_ref, wg_ref, fm_ref, h_ref, e_ref):
    F = fm_ref[...]
    W = lax.dot_general(F, F, (((0,), (0,)), ((), ())),
                        preferred_element_type=jnp.float32)
    W = W * (_KAPPA / (jnp.sqrt(jnp.sum(W * W)) + 1e-5))
    h_ref[...] = jnp.dot(feat_ref[...], wg_ref[...],
                         preferred_element_type=jnp.float32)
    e_ref[...] = jnp.dot(emb_ref[...], W, preferred_element_type=jnp.float32)


def _tc_prep1(features, embeddings, W_gcn, Fmat):
    grid = (_N // _BR,)
    return pl.pallas_call(
        _tc_prep1_body,
        grid=grid,
        in_specs=[
            pl.BlockSpec((_BR, _D), lambda i: (i, 0)),
            pl.BlockSpec((_BR, _D), lambda i: (i, 0)),
            pl.BlockSpec((_D, _D), lambda i: (0, 0)),
            pl.BlockSpec((_D, _D), lambda i: (0, 0)),
        ],
        out_specs=[
            pl.BlockSpec((_BR, _D), lambda i: (i, 0)),
            pl.BlockSpec((_BR, _D), lambda i: (i, 0)),
        ],
        out_shape=[
            jax.ShapeDtypeStruct((_N, _D), jnp.float32),
            jax.ShapeDtypeStruct((_N, _D), jnp.float32),
        ],
        name="tc_prep1",
    )(features, embeddings, W_gcn, Fmat)


def _tc_prep2_body(h_ref, e_ref, b_ref, deg_ref, t_ref, base_ref):
    dv16 = lax.rsqrt(deg_ref[0] + deg_ref[1] + 1.0)
    dv = dv16[:, 0:1]
    h = h_ref[...]
    t_ref[0] = dv * h
    t_ref[1] = e_ref[...]
    base_ref[...] = (dv * dv) * h + b_ref[...]


def _tc_prep2(h, embW, b_row, deg3):
    grid = (_N // _BR,)
    return pl.pallas_call(
        _tc_prep2_body,
        grid=grid,
        in_specs=[
            pl.BlockSpec((_BR, _D), lambda i: (i, 0)),
            pl.BlockSpec((_BR, _D), lambda i: (i, 0)),
            pl.BlockSpec((1, _D), lambda i: (0, 0)),
            pl.BlockSpec((_NC, _BR, _DW), lambda i: (0, i, 0)),
        ],
        out_specs=[
            pl.BlockSpec((_NC, _BR, _D), lambda i: (0, i, 0)),
            pl.BlockSpec((_BR, _D), lambda i: (i, 0)),
        ],
        out_shape=[
            jax.ShapeDtypeStruct((_NC, _N, _D), jnp.float32),
            jax.ShapeDtypeStruct((_N, _D), jnp.float32),
        ],
        name="tc_prep2",
    )(h, embW, b_row, deg3)


def _tc_combine_body(acc_ref, base_ref, deg_ref, out_ref):
    dv16 = lax.rsqrt(deg_ref[0] + deg_ref[1] + 1.0)
    dv = dv16[:, 0:1]
    out_ref[...] = dv * acc_ref[0] + acc_ref[1] + base_ref[...]


def _tc_combine(acc3, base, deg3):
    grid = (_N // _BR,)
    return pl.pallas_call(
        _tc_combine_body,
        grid=grid,
        in_specs=[
            pl.BlockSpec((_NC, _BR, _D), lambda i: (0, i, 0)),
            pl.BlockSpec((_BR, _D), lambda i: (i, 0)),
            pl.BlockSpec((_NC, _BR, _DW), lambda i: (0, i, 0)),
        ],
        out_specs=pl.BlockSpec((_BR, _D), lambda i: (i, 0)),
        out_shape=jax.ShapeDtypeStruct((_N, _D), jnp.float32),
        name="tc_combine",
    )(acc3, base, deg3)


def kernel(features, sparse_adj, W_gcn, b_gcn, Fmat, embeddings):
    src = sparse_adj[0].astype(jnp.int32)
    dst = sparse_adj[1].astype(jnp.int32)
    npad = _EPAD - _E
    pad_i = jnp.arange(npad, dtype=jnp.int32)
    src_p = jnp.concatenate([src, pad_i % _N])
    dst_p = jnp.concatenate([dst, _N + pad_i % (_NACC - _N)])
    srcoff3 = jnp.stack([src_p, src_p + _N]).reshape(_NC, _NCHUNK, _CH)
    dst3 = jnp.broadcast_to(dst_p.reshape(1, _NCHUNK, _CH), (_NC, _NCHUNK, _CH))
    packed = jnp.concatenate([srcoff3, dst3], axis=2).reshape(-1)
    zeros_m = jnp.zeros((_RPT, _D), jnp.float32)
    ones_m = jnp.ones((_CH, _D), jnp.float32)

    deg_flat = _sc_deg(dst_p, ones_m, zeros_m)
    h, embW = _tc_prep1(features, embeddings, W_gcn, Fmat)
    deg3 = deg_flat.reshape(_NC, _NACC, _D)[:, :, :_DW]
    t3, base = _tc_prep2(h, embW, b_gcn.reshape(1, _D), deg3)
    table = t3.reshape(_NC * _N, _D)
    acc_flat = _sc_main(packed, table, zeros_m)
    acc3 = acc_flat.reshape(_NC, _NACC, _D)
    return _tc_combine(acc3, base, deg3)

# --- scband reference (transcript-rebuilt; emitter-appended) ---
"""Pipeline reference for scband-soft-eignn-31044023616077 (READ-ONLY COPY).

The authoritative reference and input builder live on the scoring server;
editing this copy changes nothing except your own understanding.
"""

import jax, jax.numpy as jnp
import numpy as np

N = 10000
D = 128
E = 320000


def setup_inputs(seed: int = 0) -> dict:
    key = jax.random.key(seed)
    k1, k2, k3, k4, k5, k6 = jax.random.split(key, 6)
    features = jax.random.normal(k1, (N, D), dtype=jnp.float32)
    sparse_adj = jax.random.randint(k2, (2, E), 0, N)
    # GCNConv linear weight (xavier-uniform init per module), bias zeros
    limit = float(np.sqrt(6.0 / (D + D)))
    W_gcn = jax.random.uniform(k3, (D, D), dtype=jnp.float32, minval=-limit, maxval=limit)
    b_gcn = jnp.zeros((D,), dtype=jnp.float32)
    # self.F = rand(out, out); self.embeddings = 0.01*rand(num_nodes, out)
    Fmat = jax.random.uniform(k4, (D, D), dtype=jnp.float32)
    embeddings = 0.01 * jax.random.uniform(k5, (N, D), dtype=jnp.float32)
    return {"features": features, "sparse_adj": sparse_adj, "W_gcn": W_gcn,
            "b_gcn": b_gcn, "Fmat": Fmat, "embeddings": embeddings}


def reference(features, sparse_adj, W_gcn, b_gcn, Fmat, embeddings):
    kappa = 0.95
    src = sparse_adj[0]
    dst = sparse_adj[1]

    # --- baseGNN with num_layers=1: single GCNConv(normalize=True), eval mode ---
    # add self-loops, symmetric normalization D^{-1/2}(A+I)D^{-1/2}
    loop = jnp.arange(N, dtype=src.dtype)
    src2 = jnp.concatenate([src, loop])
    dst2 = jnp.concatenate([dst, loop])
    ones = jnp.ones(src2.shape[0], dtype=features.dtype)
    deg = jax.ops.segment_sum(ones, dst2, num_segments=N)
    dinv = jnp.where(deg > 0, 1.0 / jnp.sqrt(deg), 0.0)
    norm = dinv[src2] * dinv[dst2]
    h = features @ W_gcn  # GCNConv.lin (bias handled after aggregation)
    msg = h[src2] * norm[:, None]
    gcn_out = jax.ops.segment_sum(msg, dst2, num_segments=N) + b_gcn

    # --- self.project(): W = F^T F / (||F^T F|| + eps) ---
    W = Fmat.T @ Fmat
    W = W / (jnp.linalg.norm(W) + 1e-05)

    # --- kappa * (adj @ embeddings) @ W + gcn_out (raw adjacency SpMM) ---
    agg = jax.ops.segment_sum(embeddings[src], dst, num_segments=N)
    outputs = kappa * (agg @ W) + gcn_out
    return outputs

if __name__ == "__main__":
    import jax
    _d = setup_inputs()
    print(jax.jit(kernel)(*tuple(_d.values())))

</pallas_src>

<mosaic_0001>
#map = affine_map<(d0, d1) -> (0)>
#map1 = affine_map<(d0, d1) -> (0, 0)>
module attributes {stable_mosaic.version = 14 : i64} {
  func.func @sc_deg(%arg0: i32, %arg1: i32, %arg2: memref<327680xi32, #tpu.memory_space<hbm>>, %arg3: memref<128x128xf32, #tpu.memory_space<hbm>>, %arg4: memref<640x128xf32, #tpu.memory_space<hbm>>, %arg5: memref<20480x128xf32, #tpu.memory_space<hbm>>, %arg6: memref<10240xi32, #tpu.memory_space<vmem>>, %arg7: memref<128x128xf32, #tpu.memory_space<vmem>>, %arg8: memref<10240x128xf32, #tpu.memory_space<vmem_shared>>, %arg9: memref<!tpu.dma_semaphore, #tpu.memory_space<semaphore_mem>>) attributes {dimension_semantics = [#tpu.dimension_semantics<core_parallel>, #tpu.dimension_semantics<subcore_parallel>], iteration_bounds = array<i64: 2, 16>, scalar_prefetch = 0 : i64, scratch_operands = 4 : i64, tpu.core_type = #tpu.core_type<sc_vector_subcore>, window_params = [{transform_indices = #map}, {transform_indices = #map1}, {transform_indices = #map1}, {transform_indices = #map1}]} {
    %mul3A = arith.constant 640 : i32
    %mul3A_0 = arith.muli %arg1, %mul3A : i32
    "tpu.region"() ({
      %run_scoped3A = tpu.sem_alloc : memref<!tpu.dma_semaphore, #tpu.memory_space<semaphore_mem>>
      %dma_start3A = arith.constant 0 : i32
      %dma_start3A_24 = tpu.memref_slice %arg8[%mul3A_0, %dma_start3A] : memref<10240x128xf32, #tpu.memory_space<vmem_shared>> -> memref<640x128xf32, #tpu.memory_space<vmem_shared>>
      tpu.enqueue_dma source(%arg4 : memref<640x128xf32, #tpu.memory_space<hbm>>) target(%dma_start3A_24 : memref<640x128xf32, #tpu.memory_space<vmem_shared>>) target_semaphore(%run_scoped3A : memref<!tpu.dma_semaphore, #tpu.memory_space<semaphore_mem>>)
      %dma_wait3A = arith.constant 0 : i32
      %dma_wait3A_25 = tpu.memref_slice %arg8[%mul3A_0, %dma_wait3A] : memref<10240x128xf32, #tpu.memory_space<vmem_shared>> -> memref<640x128xf32, #tpu.memory_space<vmem_shared>>
      tpu.wait_dma2 semaphore(%run_scoped3A : memref<!tpu.dma_semaphore, #tpu.memory_space<semaphore_mem>>) src(%arg4 : memref<640x128xf32, #tpu.memory_space<hbm>>) dst(%dma_wait3A_25 : memref<640x128xf32, #tpu.memory_space<vmem_shared>>)
      tpu.yield
    }) : () -> ()
    "tpu.region"() ({
      %run_scoped3A = tpu.sem_alloc : memref<!tpu.dma_semaphore, #tpu.memory_space<semaphore_mem>>
      tpu.enqueue_dma source(%arg3 : memref<128x128xf32, #tpu.memory_space<hbm>>) target(%arg7 : memref<128x128xf32, #tpu.memory_space<vmem>>) target_semaphore(%run_scoped3A : memref<!tpu.dma_semaphore, #tpu.memory_space<semaphore_mem>>)
      tpu.wait_dma2 semaphore(%run_scoped3A : memref<!tpu.dma_semaphore, #tpu.memory_space<semaphore_mem>>) src(%arg3 : memref<128x128xf32, #tpu.memory_space<hbm>>) dst(%arg7 : memref<128x128xf32, #tpu.memory_space<vmem>>)
      tpu.yield
    }) : () -> ()
    %mul3A_1 = arith.constant 16 : i32
    %mul3A_2 = arith.muli %arg0, %mul3A_1 : i32
    %add3A = arith.addi %mul3A_2, %arg1 : i32
    %mul3A_3 = arith.constant 10240 : i32
    %mul3A_4 = arith.muli %add3A, %mul3A_3 : i32
    "tpu.region"() ({
      %run_scoped3A = tpu.sem_alloc : memref<!tpu.dma_semaphore, #tpu.memory_space<semaphore_mem>>
      %dma_start3A = tpu.memref_slice %arg2[%mul3A_4] : memref<327680xi32, #tpu.memory_space<hbm>> -> memref<10240xi32, #tpu.memory_space<hbm>>
      %dma_start3A_24 = tpu.memref_slice %arg2[%mul3A_4] : memref<327680xi32, #tpu.memory_space<hbm>> -> memref<10240xi32, #tpu.memory_space<hbm>>
      tpu.enqueue_dma source(%dma_start3A_24 : memref<10240xi32, #tpu.memory_space<hbm>>) target(%arg6 : memref<10240xi32, #tpu.memory_space<vmem>>) target_semaphore(%run_scoped3A : memref<!tpu.dma_semaphore, #tpu.memory_space<semaphore_mem>>)
      %dma_wait3A = tpu.memref_slice %arg2[%mul3A_4] : memref<327680xi32, #tpu.memory_space<hbm>> -> memref<10240xi32, #tpu.memory_space<hbm>>
      %dma_wait3A_25 = tpu.memref_slice %arg2[%mul3A_4] : memref<327680xi32, #tpu.memory_space<hbm>> -> memref<10240xi32, #tpu.memory_space<hbm>>
      tpu.wait_dma2 semaphore(%run_scoped3A : memref<!tpu.dma_semaphore, #tpu.memory_space<semaphore_mem>>) src(%dma_wait3A_25 : memref<10240xi32, #tpu.memory_space<hbm>>) dst(%arg6 : memref<10240xi32, #tpu.memory_space<vmem>>)
      tpu.yield
    }) : () -> ()
    %barrier3A = arith.constant 0 : index
    tpu.barrier barrier_id(%barrier3A)
    %scan3A = arith.constant 0 : i32
    %scan3A_5 = arith.constant 0 : i32
    %scan3A_6 = arith.constant 80 : i32
    %scan3A_7 = arith.addi %scan3A_5, %scan3A_6 : i32
    %scan3A_8 = arith.constant 1 : i32
    scf.for %scan3A_24 = %scan3A_5 to %scan3A_7 step %scan3A_8  : i32 {
      %mul3A_25 = arith.constant 128 : i32
      %mul3A_26 = arith.muli %scan3A_24, %mul3A_25 : i32
      %dma_start3A = tpu.memref_slice %arg6[%mul3A_26] : memref<10240xi32, #tpu.memory_space<vmem>> -> memref<128xi32, #tpu.memory_space<vmem>>
      %dma_start3A_27 = arith.constant 0 : i32
      %dma_start3A_28 = arith.constant 0 : i32
      %dma_start3A_29 = tpu.memref_slice %arg8[%dma_start3A_27, %dma_start3A_28] : memref<10240x128xf32, #tpu.memory_space<vmem_shared>> -> memref<10240x128xf32, #tpu.memory_space<vmem_shared>>
      tpu.enqueue_indirect_dma source(%arg7 : memref<128x128xf32, #tpu.memory_space<vmem>>) target(%dma_start3A_29 : memref<10240x128xf32, #tpu.memory_space<vmem_shared>>) offsets(%dma_start3A : memref<128xi32, #tpu.memory_space<vmem>>) semaphore(%arg9 : memref<!tpu.dma_semaphore, #tpu.memory_space<semaphore_mem>>) {add = true}
      %ge3A = arith.constant 16 : i32
      %ge3A_30 = arith.cmpi sge, %scan3A_24, %ge3A : i32
      %convert_element_type3A = arith.extui %ge3A_30 : i1 to i32
      %cond3A = arith.constant 0 : i32
      %cond3A_31 = arith.cmpi ne, %convert_element_type3A, %cond3A : i32
      scf.if %cond3A_31 {
        %dma_wait3A = tpu.memref_slice %arg6[%mul3A_26] : memref<10240xi32, #tpu.memory_space<vmem>> -> memref<128xi32, #tpu.memory_space<vmem>>
        %dma_wait3A_32 = arith.constant 0 : i32
        %dma_wait3A_33 = arith.constant 0 : i32
        %dma_wait3A_34 = tpu.memref_slice %arg8[%dma_wait3A_32, %dma_wait3A_33] : memref<10240x128xf32, #tpu.memory_space<vmem_shared>> -> memref<10240x128xf32, #tpu.memory_space<vmem_shared>>
        tpu.wait_indirect_dma semaphore(%arg9 : memref<!tpu.dma_semaphore, #tpu.memory_space<semaphore_mem>>) src(%arg7 : memref<128x128xf32, #tpu.memory_space<vmem>>) dst(%dma_wait3A_34 : memref<10240x128xf32, #tpu.memory_space<vmem_shared>>)
      } else {
      }
    }
    %scan3A_9 = arith.constant 80 : i32
    %scan3A_10 = arith.constant 0 : i32
    %scan3A_11 = arith.constant 0 : i32
    %scan3A_12 = arith.constant 16 : i32
    %scan3A_13 = arith.addi %scan3A_11, %scan3A_12 : i32
    %scan3A_14 = arith.constant 1 : i32
    scf.for %scan3A_24 = %scan3A_11 to %scan3A_13 step %scan3A_14  : i32 {
      %dma_wait3A = arith.constant 0 : i32
      %dma_wait3A_25 = tpu.memref_slice %arg6[%dma_wait3A] : memref<10240xi32, #tpu.memory_space<vmem>> -> memref<128xi32, #tpu.memory_space<vmem>>
      %dma_wait3A_26 = arith.constant 0 : i32
      %dma_wait3A_27 = arith.constant 0 : i32
      %dma_wait3A_28 = tpu.memref_slice %arg8[%dma_wait3A_26, %dma_wait3A_27] : memref<10240x128xf32, #tpu.memory_space<vmem_shared>> -> memref<10240x128xf32, #tpu.memory_space<vmem_shared>>
      tpu.wait_indirect_dma semaphore(%arg9 : memref<!tpu.dma_semaphore, #tpu.memory_space<semaphore_mem>>) src(%arg7 : memref<128x128xf32, #tpu.memory_space<vmem>>) dst(%dma_wait3A_28 : memref<10240x128xf32, #tpu.memory_space<vmem_shared>>)
    }
    %scan3A_15 = arith.constant 16 : i32
    %barrier3A_16 = arith.constant 0 : index
    tpu.barrier barrier_id(%barrier3A_16)
    %mul3A_17 = arith.constant 640 : i32
    %mul3A_18 = arith.muli %arg1, %mul3A_17 : i32
    %mul3A_19 = arith.constant 10240 : i32
    %mul3A_20 = arith.muli %arg0, %mul3A_19 : i32
    %mul3A_21 = arith.constant 640 : i32
    %mul3A_22 = arith.muli %arg1, %mul3A_21 : i32
    %add3A_23 = arith.addi %mul3A_20, %mul3A_22 : i32
    "tpu.region"() ({
      %run_scoped3A = tpu.sem_alloc : memref<!tpu.dma_semaphore, #tpu.memory_space<semaphore_mem>>
      %dma_start3A = arith.constant 0 : i32
      %dma_start3A_24 = tpu.memref_slice %arg5[%add3A_23, %dma_start3A] : memref<20480x128xf32, #tpu.memory_space<hbm>> -> memref<640x128xf32, #tpu.memory_space<hbm>>
      %dma_start3A_25 = arith.constant 0 : i32
      %dma_start3A_26 = tpu.memref_slice %arg8[%mul3A_18, %dma_start3A_25] : memref<10240x128xf32, #tpu.memory_space<vmem_shared>> -> memref<640x128xf32, #tpu.memory_space<vmem_shared>>
      tpu.enqueue_dma source(%dma_start3A_26 : memref<640x128xf32, #tpu.memory_space<vmem_shared>>) target(%dma_start3A_24 : memref<640x128xf32, #tpu.memory_space<hbm>>) target_semaphore(%run_scoped3A : memref<!tpu.dma_semaphore, #tpu.memory_space<semaphore_mem>>)
      %dma_wait3A = arith.constant 0 : i32
      %dma_wait3A_27 = tpu.memref_slice %arg5[%add3A_23, %dma_wait3A] : memref<20480x128xf32, #tpu.memory_space<hbm>> -> memref<640x128xf32, #tpu.memory_space<hbm>>
      %dma_wait3A_28 = arith.constant 0 : i32
      %dma_wait3A_29 = tpu.memref_slice %arg8[%mul3A_18, %dma_wait3A_28] : memref<10240x128xf32, #tpu.memory_space<vmem_shared>> -> memref<640x128xf32, #tpu.memory_space<vmem_shared>>
      tpu.wait_dma2 semaphore(%run_scoped3A : memref<!tpu.dma_semaphore, #tpu.memory_space<semaphore_mem>>) src(%dma_wait3A_29 : memref<640x128xf32, #tpu.memory_space<vmem_shared>>) dst(%dma_wait3A_27 : memref<640x128xf32, #tpu.memory_space<hbm>>)
      tpu.yield
    }) : () -> ()
    return
  }
}

#map = affine_map<(d0, d1) -> (0)>
#map1 = affine_map<(d0, d1) -> (0, 0)>
module attributes {stable_mosaic.version = 14 : i64} {
  func.func @sc_main(%arg0: i32, %arg1: i32, %arg2: memref<1310720xi32, #tpu.memory_space<hbm>>, %arg3: memref<20000x128xf32, #tpu.memory_space<hbm>>, %arg4: memref<640x128xf32, #tpu.memory_space<hbm>>, %arg5: memref<20480x128xf32, #tpu.memory_space<hbm>>, %arg6: memref<256xi32, #tpu.memory_space<vmem>>, %arg7: memref<256xi32, #tpu.memory_space<vmem>>, %arg8: memref<256xi32, #tpu.memory_space<vmem>>, %arg9: memref<256xi32, #tpu.memory_space<vmem>>, %arg10: memref<128x128xf32, #tpu.memory_space<vmem>>, %arg11: memref<128x128xf32, #tpu.memory_space<vmem>>, %arg12: memref<!tpu.dma_semaphore, #tpu.memory_space<semaphore_mem>>, %arg13: memref<!tpu.dma_semaphore, #tpu.memory_space<semaphore_mem>>, %arg14: memref<!tpu.dma_semaphore, #tpu.memory_space<semaphore_mem>>, %arg15: memref<!tpu.dma_semaphore, #tpu.memory_space<semaphore_mem>>, %arg16: memref<!tpu.dma_semaphore, #tpu.memory_space<semaphore_mem>>, %arg17: memref<!tpu.dma_semaphore, #tpu.memory_space<semaphore_mem>>, %arg18: memref<!tpu.dma_semaphore, #tpu.memory_space<semaphore_mem>>, %arg19: memref<!tpu.dma_semaphore, #tpu.memory_space<semaphore_mem>>, %arg20: memref<10240x128xf32, #tpu.memory_space<vmem_shared>>) attributes {dimension_semantics = [#tpu.dimension_semantics<core_parallel>, #tpu.dimension_semantics<subcore_parallel>], iteration_bounds = array<i64: 2, 16>, scalar_prefetch = 0 : i64, scratch_operands = 15 : i64, tpu.core_type = #tpu.core_type<sc_vector_subcore>, window_params = [{transform_indices = #map}, {transform_indices = #map1}, {transform_indices = #map1}, {transform_indices = #map1}]} {
    %mul3A = arith.constant 640 : i32
    %mul3A_0 = arith.muli %arg1, %mul3A : i32
    "tpu.region"() ({
      %run_scoped3A = tpu.sem_alloc : memref<!tpu.dma_semaphore, #tpu.memory_space<semaphore_mem>>
      %dma_start3A_37 = arith.constant 0 : i32
      %dma_start3A_38 = tpu.memref_slice %arg20[%mul3A_0, %dma_start3A_37] : memref<10240x128xf32, #tpu.memory_space<vmem_shared>> -> memref<640x128xf32, #tpu.memory_space<vmem_shared>>
      tpu.enqueue_dma source(%arg4 : memref<640x128xf32, #tpu.memory_space<hbm>>) target(%dma_start3A_38 : memref<640x128xf32, #tpu.memory_space<vmem_shared>>) target_semaphore(%run_scoped3A : memref<!tpu.dma_semaphore, #tpu.memory_space<semaphore_mem>>)
      %dma_wait3A_39 = arith.constant 0 : i32
      %dma_wait3A_40 = tpu.memref_slice %arg20[%mul3A_0, %dma_wait3A_39] : memref<10240x128xf32, #tpu.memory_space<vmem_shared>> -> memref<640x128xf32, #tpu.memory_space<vmem_shared>>
      tpu.wait_dma2 semaphore(%run_scoped3A : memref<!tpu.dma_semaphore, #tpu.memory_space<semaphore_mem>>) src(%arg4 : memref<640x128xf32, #tpu.memory_space<hbm>>) dst(%dma_wait3A_40 : memref<640x128xf32, #tpu.memory_space<vmem_shared>>)
      tpu.yield
    }) : () -> ()
    %mul3A_1 = arith.constant 2560 : i32
    %mul3A_2 = arith.muli %arg0, %mul3A_1 : i32
    %mul3A_3 = arith.constant 160 : i32
    %mul3A_4 = arith.muli %arg1, %mul3A_3 : i32
    %add3A = arith.addi %mul3A_2, %mul3A_4 : i32
    %mul3A_5 = arith.constant 256 : i32
    %mul3A_6 = arith.muli %add3A, %mul3A_5 : i32
    "tpu.region"() ({
      %run_scoped3A = tpu.sem_alloc : memref<!tpu.dma_semaphore, #tpu.memory_space<semaphore_mem>>
      %dma_start3A_37 = tpu.memref_slice %arg2[%mul3A_6] : memref<1310720xi32, #tpu.memory_space<hbm>> -> memref<256xi32, #tpu.memory_space<hbm>>
      %dma_start3A_38 = tpu.memref_slice %arg2[%mul3A_6] : memref<1310720xi32, #tpu.memory_space<hbm>> -> memref<256xi32, #tpu.memory_space<hbm>>
      tpu.enqueue_dma source(%dma_start3A_38 : memref<256xi32, #tpu.memory_space<hbm>>) target(%arg6 : memref<256xi32, #tpu.memory_space<vmem>>) target_semaphore(%run_scoped3A : memref<!tpu.dma_semaphore, #tpu.memory_space<semaphore_mem>>)
      %dma_wait3A_39 = tpu.memref_slice %arg2[%mul3A_6] : memref<1310720xi32, #tpu.memory_space<hbm>> -> memref<256xi32, #tpu.memory_space<hbm>>
      %dma_wait3A_40 = tpu.memref_slice %arg2[%mul3A_6] : memref<1310720xi32, #tpu.memory_space<hbm>> -> memref<256xi32, #tpu.memory_space<hbm>>
      tpu.wait_dma2 semaphore(%run_scoped3A : memref<!tpu.dma_semaphore, #tpu.memory_space<semaphore_mem>>) src(%dma_wait3A_40 : memref<256xi32, #tpu.memory_space<hbm>>) dst(%arg6 : memref<256xi32, #tpu.memory_space<vmem>>)
      tpu.yield
    }) : () -> ()
    %barrier3A = arith.constant 0 : index
    tpu.barrier barrier_id(%barrier3A)
    %dma_start3A = arith.constant 0 : i32
    %dma_start3A_7 = tpu.memref_slice %arg6[%dma_start3A] : memref<256xi32, #tpu.memory_space<vmem>> -> memref<128xi32, #tpu.memory_space<vmem>>
    %dma_start3A_8 = arith.constant 0 : i32
    %dma_start3A_9 = arith.constant 0 : i32
    %dma_start3A_10 = tpu.memref_slice %arg3[%dma_start3A_8, %dma_start3A_9] : memref<20000x128xf32, #tpu.memory_space<hbm>> -> memref<20000x128xf32, #tpu.memory_space<hbm>>
    tpu.enqueue_indirect_dma source(%dma_start3A_10 : memref<20000x128xf32, #tpu.memory_space<hbm>>) target(%arg10 : memref<128x128xf32, #tpu.memory_space<vmem>>) offsets(%dma_start3A_7 : memref<128xi32, #tpu.memory_space<vmem>>) semaphore(%arg12 : memref<!tpu.dma_semaphore, #tpu.memory_space<semaphore_mem>>)
    %add3A_11 = arith.constant 256 : i32
    %add3A_12 = arith.addi %mul3A_6, %add3A_11 : i32
    %dma_start3A_13 = tpu.memref_slice %arg2[%add3A_12] : memref<1310720xi32, #tpu.memory_space<hbm>> -> memref<256xi32, #tpu.memory_space<hbm>>
    %dma_start3A_14 = tpu.memref_slice %arg2[%add3A_12] : memref<1310720xi32, #tpu.memory_space<hbm>> -> memref<256xi32, #tpu.memory_space<hbm>>
    tpu.enqueue_dma source(%dma_start3A_14 : memref<256xi32, #tpu.memory_space<hbm>>) target(%arg7 : memref<256xi32, #tpu.memory_space<vmem>>) target_semaphore(%arg17 : memref<!tpu.dma_semaphore, #tpu.memory_space<semaphore_mem>>)
    %scan3A = arith.constant 0 : i32
    %scan3A_15 = arith.constant 0 : i32
    %scan3A_16 = arith.constant 40 : i32
    %scan3A_17 = arith.addi %scan3A_15, %scan3A_16 : i32
    %scan3A_18 = arith.constant 1 : i32
    scf.for %scan3A_37 = %scan3A_15 to %scan3A_17 step %scan3A_18  : i32 {
      %mul3A_38 = arith.constant 4 : i32
      %mul3A_39 = arith.muli %mul3A_38, %scan3A_37 : i32
      %add3A_40 = arith.constant 0 : i32
      %add3A_41 = arith.addi %mul3A_39, %add3A_40 : i32
      %dma_wait3A_42 = arith.constant 0 : i32
      %dma_wait3A_43 = tpu.memref_slice %arg6[%dma_wait3A_42] : memref<256xi32, #tpu.memory_space<vmem>> -> memref<128xi32, #tpu.memory_space<vmem>>
      %dma_wait3A_44 = arith.constant 0 : i32
      %dma_wait3A_45 = arith.constant 0 : i32
      %dma_wait3A_46 = tpu.memref_slice %arg3[%dma_wait3A_44, %dma_wait3A_45] : memref<20000x128xf32, #tpu.memory_space<hbm>> -> memref<20000x128xf32, #tpu.memory_space<hbm>>
      tpu.wait_indirect_dma semaphore(%arg12 : memref<!tpu.dma_semaphore, #tpu.memory_space<semaphore_mem>>) src(%dma_wait3A_46 : memref<20000x128xf32, #tpu.memory_space<hbm>>) dst(%arg10 : memref<128x128xf32, #tpu.memory_space<vmem>>)
      %dma_start3A_47 = arith.constant 128 : i32
      %dma_start3A_48 = tpu.memref_slice %arg6[%dma_start3A_47] : memref<256xi32, #tpu.memory_space<vmem>> -> memref<128xi32, #tpu.memory_space<vmem>>
      %dma_start3A_49 = arith.constant 0 : i32
      %dma_start3A_50 = arith.constant 0 : i32
      %dma_start3A_51 = tpu.memref_slice %arg20[%dma_start3A_49, %dma_start3A_50] : memref<10240x128xf32, #tpu.memory_space<vmem_shared>> -> memref<10240x128xf32, #tpu.memory_space<vmem_shared>>
      tpu.enqueue_indirect_dma source(%arg10 : memref<128x128xf32, #tpu.memory_space<vmem>>) target(%dma_start3A_51 : memref<10240x128xf32, #tpu.memory_space<vmem_shared>>) offsets(%dma_start3A_48 : memref<128xi32, #tpu.memory_space<vmem>>) semaphore(%arg14 : memref<!tpu.dma_semaphore, #tpu.memory_space<semaphore_mem>>) {add = true}
      %lt3A = arith.constant 159 : i32
      %lt3A_52 = arith.cmpi slt, %add3A_41, %lt3A : i32
      %convert_element_type3A = arith.extui %lt3A_52 : i1 to i32
      %cond3A = arith.constant 0 : i32
      %cond3A_53 = arith.cmpi ne, %convert_element_type3A, %cond3A : i32
      scf.if %cond3A_53 {
        %gt3A = arith.constant 0 : i32
        %gt3A_111 = arith.cmpi sgt, %add3A_41, %gt3A : i32
        %convert_element_type3A_112 = arith.extui %gt3A_111 : i1 to i32
        %cond3A_113 = arith.constant 0 : i32
        %cond3A_114 = arith.cmpi ne, %convert_element_type3A_112, %cond3A_113 : i32
        scf.if %cond3A_114 {
          %dma_wait3A_128 = arith.constant 128 : i32
          %dma_wait3A_129 = tpu.memref_slice %arg6[%dma_wait3A_128] : memref<256xi32, #tpu.memory_space<vmem>> -> memref<128xi32, #tpu.memory_space<vmem>>
          %dma_wait3A_130 = arith.constant 0 : i32
          %dma_wait3A_131 = arith.constant 0 : i32
          %dma_wait3A_132 = tpu.memref_slice %arg20[%dma_wait3A_130, %dma_wait3A_131] : memref<10240x128xf32, #tpu.memory_space<vmem_shared>> -> memref<10240x128xf32, #tpu.memory_space<vmem_shared>>
          tpu.wait_indirect_dma semaphore(%arg15 : memref<!tpu.dma_semaphore, #tpu.memory_space<semaphore_mem>>) src(%arg11 : memref<128x128xf32, #tpu.memory_space<vmem>>) dst(%dma_wait3A_132 : memref<10240x128xf32, #tpu.memory_space<vmem_shared>>)
        } else {
        }
        %dma_wait3A_115 = tpu.memref_slice %arg2[%mul3A_6] : memref<1310720xi32, #tpu.memory_space<hbm>> -> memref<256xi32, #tpu.memory_space<hbm>>
        %dma_wait3A_116 = tpu.memref_slice %arg2[%mul3A_6] : memref<1310720xi32, #tpu.memory_space<hbm>> -> memref<256xi32, #tpu.memory_space<hbm>>
        tpu.wait_dma2 semaphore(%arg17 : memref<!tpu.dma_semaphore, #tpu.memory_space<semaphore_mem>>) src(%dma_wait3A_116 : memref<256xi32, #tpu.memory_space<hbm>>) dst(%arg7 : memref<256xi32, #tpu.memory_space<vmem>>)
        %dma_start3A_117 = arith.constant 0 : i32
        %dma_start3A_118 = tpu.memref_slice %arg7[%dma_start3A_117] : memref<256xi32, #tpu.memory_space<vmem>> -> memref<128xi32, #tpu.memory_space<vmem>>
        %dma_start3A_119 = arith.constant 0 : i32
        %dma_start3A_120 = arith.constant 0 : i32
        %dma_start3A_121 = tpu.memref_slice %arg3[%dma_start3A_119, %dma_start3A_120] : memref<20000x128xf32, #tpu.memory_space<hbm>> -> memref<20000x128xf32, #tpu.memory_space<hbm>>
        tpu.enqueue_indirect_dma source(%dma_start3A_121 : memref<20000x128xf32, #tpu.memory_space<hbm>>) target(%arg11 : memref<128x128xf32, #tpu.memory_space<vmem>>) offsets(%dma_start3A_118 : memref<128xi32, #tpu.memory_space<vmem>>) semaphore(%arg13 : memref<!tpu.dma_semaphore, #tpu.memory_space<semaphore_mem>>)
        %add3A_122 = arith.constant 2 : i32
        %add3A_123 = arith.addi %add3A_41, %add3A_122 : i32
        %le3A = arith.constant 159 : i32
        %le3A_124 = arith.cmpi sle, %add3A_123, %le3A : i32
        %convert_element_type3A_125 = arith.extui %le3A_124 : i1 to i32
        %cond3A_126 = arith.constant 0 : i32
        %cond3A_127 = arith.cmpi ne, %convert_element_type3A_125, %cond3A_126 : i32
        scf.if %cond3A_127 {
          %add3A_128 = arith.constant 2 : i32
          %add3A_129 = arith.addi %add3A_41, %add3A_128 : i32
          %mul3A_130 = arith.constant 2 : i32
          %mul3A_131 = arith.muli %add3A_129, %mul3A_130 : i32
          %mul3A_132 = arith.constant 128 : i32
          %mul3A_133 = arith.muli %mul3A_131, %mul3A_132 : i32
          %add3A_134 = arith.addi %mul3A_6, %mul3A_133 : i32
          %dma_start3A_135 = tpu.memref_slice %arg2[%add3A_134] : memref<1310720xi32, #tpu.memory_space<hbm>> -> memref<256xi32, #tpu.memory_space<hbm>>
          %dma_start3A_136 = tpu.memref_slice %arg2[%add3A_134] : memref<1310720xi32, #tpu.memory_space<hbm>> -> memref<256xi32, #tpu.memory_space<hbm>>
          tpu.enqueue_dma source(%dma_start3A_136 : memref<256xi32, #tpu.memory_space<hbm>>) target(%arg8 : memref<256xi32, #tpu.memory_space<vmem>>) target_semaphore(%arg18 : memref<!tpu.dma_semaphore, #tpu.memory_space<semaphore_mem>>)
        } else {
        }
      } else {
      }
      %mul3A_54 = arith.constant 4 : i32
      %mul3A_55 = arith.muli %mul3A_54, %scan3A_37 : i32
      %add3A_56 = arith.constant 1 : i32
      %add3A_57 = arith.addi %mul3A_55, %add3A_56 : i32
      %dma_wait3A_58 = arith.constant 0 : i32
      %dma_wait3A_59 = tpu.memref_slice %arg7[%dma_wait3A_58] : memref<256xi32, #tpu.memory_space<vmem>> -> memref<128xi32, #tpu.memory_space<vmem>>
      %dma_wait3A_60 = arith.constant 0 : i32
      %dma_wait3A_61 = arith.constant 0 : i32
      %dma_wait3A_62 = tpu.memref_slice %arg3[%dma_wait3A_60, %dma_wait3A_61] : memref<20000x128xf32, #tpu.memory_space<hbm>> -> memref<20000x128xf32, #tpu.memory_space<hbm>>
      tpu.wait_indirect_dma semaphore(%arg13 : memref<!tpu.dma_semaphore, #tpu.memory_space<semaphore_mem>>) src(%dma_wait3A_62 : memref<20000x128xf32, #tpu.memory_space<hbm>>) dst(%arg11 : memref<128x128xf32, #tpu.memory_space<vmem>>)
      %dma_start3A_63 = arith.constant 128 : i32
      %dma_start3A_64 = tpu.memref_slice %arg7[%dma_start3A_63] : memref<256xi32, #tpu.memory_space<vmem>> -> memref<128xi32, #tpu.memory_space<vmem>>
      %dma_start3A_65 = arith.constant 0 : i32
      %dma_start3A_66 = arith.constant 0 : i32
      %dma_start3A_67 = tpu.memref_slice %arg20[%dma_start3A_65, %dma_start3A_66] : memref<10240x128xf32, #tpu.memory_space<vmem_shared>> -> memref<10240x128xf32, #tpu.memory_space<vmem_shared>>
      tpu.enqueue_indirect_dma source(%arg11 : memref<128x128xf32, #tpu.memory_space<vmem>>) target(%dma_start3A_67 : memref<10240x128xf32, #tpu.memory_space<vmem_shared>>) offsets(%dma_start3A_64 : memref<128xi32, #tpu.memory_space<vmem>>) semaphore(%arg15 : memref<!tpu.dma_semaphore, #tpu.memory_space<semaphore_mem>>) {add = true}
      %lt3A_68 = arith.constant 159 : i32
      %lt3A_69 = arith.cmpi slt, %add3A_57, %lt3A_68 : i32
      %convert_element_type3A_70 = arith.extui %lt3A_69 : i1 to i32
      %cond3A_71 = arith.constant 0 : i32
      %cond3A_72 = arith.cmpi ne, %convert_element_type3A_70, %cond3A_71 : i32
      scf.if %cond3A_72 {
        %gt3A = arith.constant 0 : i32
        %gt3A_111 = arith.cmpi sgt, %add3A_57, %gt3A : i32
        %convert_element_type3A_112 = arith.extui %gt3A_111 : i1 to i32
        %cond3A_113 = arith.constant 0 : i32
        %cond3A_114 = arith.cmpi ne, %convert_element_type3A_112, %cond3A_113 : i32
        scf.if %cond3A_114 {
          %dma_wait3A_128 = arith.constant 128 : i32
          %dma_wait3A_129 = tpu.memref_slice %arg7[%dma_wait3A_128] : memref<256xi32, #tpu.memory_space<vmem>> -> memref<128xi32, #tpu.memory_space<vmem>>
          %dma_wait3A_130 = arith.constant 0 : i32
          %dma_wait3A_131 = arith.constant 0 : i32
          %dma_wait3A_132 = tpu.memref_slice %arg20[%dma_wait3A_130, %dma_wait3A_131] : memref<10240x128xf32, #tpu.memory_space<vmem_shared>> -> memref<10240x128xf32, #tpu.memory_space<vmem_shared>>
          tpu.wait_indirect_dma semaphore(%arg14 : memref<!tpu.dma_semaphore, #tpu.memory_space<semaphore_mem>>) src(%arg10 : memref<128x128xf32, #tpu.memory_space<vmem>>) dst(%dma_wait3A_132 : memref<10240x128xf32, #tpu.memory_space<vmem_shared>>)
        } else {
        }
        %dma_wait3A_115 = tpu.memref_slice %arg2[%mul3A_6] : memref<1310720xi32, #tpu.memory_space<hbm>> -> memref<256xi32, #tpu.memory_space<hbm>>
        %dma_wait3A_116 = tpu.memref_slice %arg2[%mul3A_6] : memref<1310720xi32, #tpu.memory_space<hbm>> -> memref<256xi32, #tpu.memory_space<hbm>>
        tpu.wait_dma2 semaphore(%arg18 : memref<!tpu.dma_semaphore, #tpu.memory_space<semaphore_mem>>) src(%dma_wait3A_116 : memref<256xi32, #tpu.memory_space<hbm>>) dst(%arg8 : memref<256xi32, #tpu.memory_space<vmem>>)
        %dma_start3A_117 = arith.constant 0 : i32
        %dma_start3A_118 = tpu.memref_slice %arg8[%dma_start3A_117] : memref<256xi32, #tpu.memory_space<vmem>> -> memref<128xi32, #tpu.memory_space<vmem>>
        %dma_start3A_119 = arith.constant 0 : i32
        %dma_start3A_120 = arith.constant 0 : i32
        %dma_start3A_121 = tpu.memref_slice %arg3[%dma_start3A_119, %dma_start3A_120] : memref<20000x128xf32, #tpu.memory_space<hbm>> -> memref<20000x128xf32, #tpu.memory_space<hbm>>
        tpu.enqueue_indirect_dma source(%dma_start3A_121 : memref<20000x128xf32, #tpu.memory_space<hbm>>) target(%arg10 : memref<128x128xf32, #tpu.memory_space<vmem>>) offsets(%dma_start3A_118 : memref<128xi32, #tpu.memory_space<vmem>>) semaphore(%arg12 : memref<!tpu.dma_semaphore, #tpu.memory_space<semaphore_mem>>)
        %add3A_122 = arith.constant 2 : i32
        %add3A_123 = arith.addi %add3A_57, %add3A_122 : i32
        %le3A = arith.constant 159 : i32
        %le3A_124 = arith.cmpi sle, %add3A_123, %le3A : i32
        %convert_element_type3A_125 = arith.extui %le3A_124 : i1 to i32
        %cond3A_126 = arith.constant 0 : i32
        %cond3A_127 = arith.cmpi ne, %convert_element_type3A_125, %cond3A_126 : i32
        scf.if %cond3A_127 {
          %add3A_128 = arith.constant 2 : i32
          %add3A_129 = arith.addi %add3A_57, %add3A_128 : i32
          %mul3A_130 = arith.constant 2 : i32
          %mul3A_131 = arith.muli %add3A_129, %mul3A_130 : i32
          %mul3A_132 = arith.constant 128 : i32
          %mul3A_133 = arith.muli %mul3A_131, %mul3A_132 : i32
          %add3A_134 = arith.addi %mul3A_6, %mul3A_133 : i32
          %dma_start3A_135 = tpu.memref_slice %arg2[%add3A_134] : memref<1310720xi32, #tpu.memory_space<hbm>> -> memref<256xi32, #tpu.memory_space<hbm>>
          %dma_start3A_136 = tpu.memref_slice %arg2[%add3A_134] : memref<1310720xi32, #tpu.memory_space<hbm>> -> memref<256xi32, #tpu.memory_space<hbm>>
          tpu.enqueue_dma source(%dma_start3A_136 : memref<256xi32, #tpu.memory_space<hbm>>) target(%arg9 : memref<256xi32, #tpu.memory_space<vmem>>) target_semaphore(%arg19 : memref<!tpu.dma_semaphore, #tpu.memory_space<semaphore_mem>>)
        } else {
        }
      } else {
      }
      %mul3A_73 = arith.constant 4 : i32
      %mul3A_74 = arith.muli %mul3A_73, %scan3A_37 : i32
      %add3A_75 = arith.constant 2 : i32
      %add3A_76 = arith.addi %mul3A_74, %add3A_75 : i32
      %dma_wait3A_77 = arith.constant 0 : i32
      %dma_wait3A_78 = tpu.memref_slice %arg8[%dma_wait3A_77] : memref<256xi32, #tpu.memory_space<vmem>> -> memref<128xi32, #tpu.memory_space<vmem>>
      %dma_wait3A_79 = arith.constant 0 : i32
      %dma_wait3A_80 = arith.constant 0 : i32
      %dma_wait3A_81 = tpu.memref_slice %arg3[%dma_wait3A_79, %dma_wait3A_80] : memref<20000x128xf32, #tpu.memory_space<hbm>> -> memref<20000x128xf32, #tpu.memory_space<hbm>>
      tpu.wait_indirect_dma semaphore(%arg12 : memref<!tpu.dma_semaphore, #tpu.memory_space<semaphore_mem>>) src(%dma_wait3A_81 : memref<20000x128xf32, #tpu.memory_space<hbm>>) dst(%arg10 : memref<128x128xf32, #tpu.memory_space<vmem>>)
      %dma_start3A_82 = arith.constant 128 : i32
      %dma_start3A_83 = tpu.memref_slice %arg8[%dma_start3A_82] : memref<256xi32, #tpu.memory_space<vmem>> -> memref<128xi32, #tpu.memory_space<vmem>>
      %dma_start3A_84 = arith.constant 0 : i32
      %dma_start3A_85 = arith.constant 0 : i32
      %dma_start3A_86 = tpu.memref_slice %arg20[%dma_start3A_84, %dma_start3A_85] : memref<10240x128xf32, #tpu.memory_space<vmem_shared>> -> memref<10240x128xf32, #tpu.memory_space<vmem_shared>>
      tpu.enqueue_indirect_dma source(%arg10 : memref<128x128xf32, #tpu.memory_space<vmem>>) target(%dma_start3A_86 : memref<10240x128xf32, #tpu.memory_space<vmem_shared>>) offsets(%dma_start3A_83 : memref<128xi32, #tpu.memory_space<vmem>>) semaphore(%arg14 : memref<!tpu.dma_semaphore, #tpu.memory_space<semaphore_mem>>) {add = true}
      %lt3A_87 = arith.constant 159 : i32
      %lt3A_88 = arith.cmpi slt, %add3A_76, %lt3A_87 : i32
      %convert_element_type3A_89 = arith.extui %lt3A_88 : i1 to i32
      %cond3A_90 = arith.constant 0 : i32
      %cond3A_91 = arith.cmpi ne, %convert_element_type3A_89, %cond3A_90 : i32
      scf.if %cond3A_91 {
        %gt3A = arith.constant 0 : i32
        %gt3A_111 = arith.cmpi sgt, %add3A_76, %gt3A : i32
        %convert_element_type3A_112 = arith.extui %gt3A_111 : i1 to i32
        %cond3A_113 = arith.constant 0 : i32
        %cond3A_114 = arith.cmpi ne, %convert_element_type3A_112, %cond3A_113 : i32
        scf.if %cond3A_114 {
          %dma_wait3A_128 = arith.constant 128 : i32
          %dma_wait3A_129 = tpu.memref_slice %arg8[%dma_wait3A_128] : memref<256xi32, #tpu.memory_space<vmem>> -> memref<128xi32, #tpu.memory_space<vmem>>
          %dma_wait3A_130 = arith.constant 0 : i32
          %dma_wait3A_131 = arith.constant 0 : i32
          %dma_wait3A_132 = tpu.memref_slice %arg20[%dma_wait3A_130, %dma_wait3A_131] : memref<10240x128xf32, #tpu.memory_space<vmem_shared>> -> memref<10240x128xf32, #tpu.memory_space<vmem_shared>>
          tpu.wait_indirect_dma semaphore(%arg15 : memref<!tpu.dma_semaphore, #tpu.memory_space<semaphore_mem>>) src(%arg11 : memref<128x128xf32, #tpu.memory_space<vmem>>) dst(%dma_wait3A_132 : memref<10240x128xf32, #tpu.memory_space<vmem_shared>>)
        } else {
        }
        %dma_wait3A_115 = tpu.memref_slice %arg2[%mul3A_6] : memref<1310720xi32, #tpu.memory_space<hbm>> -> memref<256xi32, #tpu.memory_space<hbm>>
        %dma_wait3A_116 = tpu.memref_slice %arg2[%mul3A_6] : memref<1310720xi32, #tpu.memory_space<hbm>> -> memref<256xi32, #tpu.memory_space<hbm>>
        tpu.wait_dma2 semaphore(%arg19 : memref<!tpu.dma_semaphore, #tpu.memory_space<semaphore_mem>>) src(%dma_wait3A_116 : memref<256xi32, #tpu.memory_space<hbm>>) dst(%arg9 : memref<256xi32, #tpu.memory_space<vmem>>)
        %dma_start3A_117 = arith.constant 0 : i32
        %dma_start3A_118 = tpu.memref_slice %arg9[%dma_start3A_117] : memref<256xi32, #tpu.memory_space<vmem>> -> memref<128xi32, #tpu.memory_space<vmem>>
        %dma_start3A_119 = arith.constant 0 : i32
        %dma_start3A_120 = arith.constant 0 : i32
        %dma_start3A_121 = tpu.memref_slice %arg3[%dma_start3A_119, %dma_start3A_120] : memref<20000x128xf32, #tpu.memory_space<hbm>> -> memref<20000x128xf32, #tpu.memory_space<hbm>>
        tpu.enqueue_indirect_dma source(%dma_start3A_121 : memref<20000x128xf32, #tpu.memory_space<hbm>>) target(%arg11 : memref<128x128xf32, #tpu.memory_space<vmem>>) offsets(%dma_start3A_118 : memref<128xi32, #tpu.memory_space<vmem>>) semaphore(%arg13 : memref<!tpu.dma_semaphore, #tpu.memory_space<semaphore_mem>>)
        %add3A_122 = arith.constant 2 : i32
        %add3A_123 = arith.addi %add3A_76, %add3A_122 : i32
        %le3A = arith.constant 159 : i32
        %le3A_124 = arith.cmpi sle, %add3A_123, %le3A : i32
        %convert_element_type3A_125 = arith.extui %le3A_124 : i1 to i32
        %cond3A_126 = arith.constant 0 : i32
        %cond3A_127 = arith.cmpi ne, %convert_element_type3A_125, %cond3A_126 : i32
        scf.if %cond3A_127 {
          %add3A_128 = arith.constant 2 : i32
          %add3A_129 = arith.addi %add3A_76, %add3A_128 : i32
          %mul3A_130 = arith.constant 2 : i32
          %mul3A_131 = arith.muli %add3A_129, %mul3A_130 : i32
          %mul3A_132 = arith.constant 128 : i32
          %mul3A_133 = arith.muli %mul3A_131, %mul3A_132 : i32
          %add3A_134 = arith.addi %mul3A_6, %mul3A_133 : i32
          %dma_start3A_135 = tpu.memref_slice %arg2[%add3A_134] : memref<1310720xi32, #tpu.memory_space<hbm>> -> memref<256xi32, #tpu.memory_space<hbm>>
          %dma_start3A_136 = tpu.memref_slice %arg2[%add3A_134] : memref<1310720xi32, #tpu.memory_space<hbm>> -> memref<256xi32, #tpu.memory_space<hbm>>
          tpu.enqueue_dma source(%dma_start3A_136 : memref<256xi32, #tpu.memory_space<hbm>>) target(%arg6 : memref<256xi32, #tpu.memory_space<vmem>>) target_semaphore(%arg16 : memref<!tpu.dma_semaphore, #tpu.memory_space<semaphore_mem>>)
        } else {
        }
      } else {
      }
      %mul3A_92 = arith.constant 4 : i32
      %mul3A_93 = arith.muli %mul3A_92, %scan3A_37 : i32
      %add3A_94 = arith.constant 3 : i32
      %add3A_95 = arith.addi %mul3A_93, %add3A_94 : i32
      %dma_wait3A_96 = arith.constant 0 : i32
      %dma_wait3A_97 = tpu.memref_slice %arg9[%dma_wait3A_96] : memref<256xi32, #tpu.memory_space<vmem>> -> memref<128xi32, #tpu.memory_space<vmem>>
      %dma_wait3A_98 = arith.constant 0 : i32
      %dma_wait3A_99 = arith.constant 0 : i32
      %dma_wait3A_100 = tpu.memref_slice %arg3[%dma_wait3A_98, %dma_wait3A_99] : memref<20000x128xf32, #tpu.memory_space<hbm>> -> memref<20000x128xf32, #tpu.memory_space<hbm>>
      tpu.wait_indirect_dma semaphore(%arg13 : memref<!tpu.dma_semaphore, #tpu.memory_space<semaphore_mem>>) src(%dma_wait3A_100 : memref<20000x128xf32, #tpu.memory_space<hbm>>) dst(%arg11 : memref<128x128xf32, #tpu.memory_space<vmem>>)
      %dma_start3A_101 = arith.constant 128 : i32
      %dma_start3A_102 = tpu.memref_slice %arg9[%dma_start3A_101] : memref<256xi32, #tpu.memory_space<vmem>> -> memref<128xi32, #tpu.memory_space<vmem>>
      %dma_start3A_103 = arith.constant 0 : i32
      %dma_start3A_104 = arith.constant 0 : i32
      %dma_start3A_105 = tpu.memref_slice %arg20[%dma_start3A_103, %dma_start3A_104] : memref<10240x128xf32, #tpu.memory_space<vmem_shared>> -> memref<10240x128xf32, #tpu.memory_space<vmem_shared>>
      tpu.enqueue_indirect_dma source(%arg11 : memref<128x128xf32, #tpu.memory_space<vmem>>) target(%dma_start3A_105 : memref<10240x128xf32, #tpu.memory_space<vmem_shared>>) offsets(%dma_start3A_102 : memref<128xi32, #tpu.memory_space<vmem>>) semaphore(%arg15 : memref<!tpu.dma_semaphore, #tpu.memory_space<semaphore_mem>>) {add = true}
      %lt3A_106 = arith.constant 159 : i32
      %lt3A_107 = arith.cmpi slt, %add3A_95, %lt3A_106 : i32
      %convert_element_type3A_108 = arith.extui %lt3A_107 : i1 to i32
      %cond3A_109 = arith.constant 0 : i32
      %cond3A_110 = arith.cmpi ne, %convert_element_type3A_108, %cond3A_109 : i32
      scf.if %cond3A_110 {
        %gt3A = arith.constant 0 : i32
        %gt3A_111 = arith.cmpi sgt, %add3A_95, %gt3A : i32
        %convert_element_type3A_112 = arith.extui %gt3A_111 : i1 to i32
        %cond3A_113 = arith.constant 0 : i32
        %cond3A_114 = arith.cmpi ne, %convert_element_type3A_112, %cond3A_113 : i32
        scf.if %cond3A_114 {
          %dma_wait3A_128 = arith.constant 128 : i32
          %dma_wait3A_129 = tpu.memref_slice %arg9[%dma_wait3A_128] : memref<256xi32, #tpu.memory_space<vmem>> -> memref<128xi32, #tpu.memory_space<vmem>>
          %dma_wait3A_130 = arith.constant 0 : i32
          %dma_wait3A_131 = arith.constant 0 : i32
          %dma_wait3A_132 = tpu.memref_slice %arg20[%dma_wait3A_130, %dma_wait3A_131] : memref<10240x128xf32, #tpu.memory_space<vmem_shared>> -> memref<10240x128xf32, #tpu.memory_space<vmem_shared>>
          tpu.wait_indirect_dma semaphore(%arg14 : memref<!tpu.dma_semaphore, #tpu.memory_space<semaphore_mem>>) src(%arg10 : memref<128x128xf32, #tpu.memory_space<vmem>>) dst(%dma_wait3A_132 : memref<10240x128xf32, #tpu.memory_space<vmem_shared>>)
        } else {
        }
        %dma_wait3A_115 = tpu.memref_slice %arg2[%mul3A_6] : memref<1310720xi32, #tpu.memory_space<hbm>> -> memref<256xi32, #tpu.memory_space<hbm>>
        %dma_wait3A_116 = tpu.memref_slice %arg2[%mul3A_6] : memref<1310720xi32, #tpu.memory_space<hbm>> -> memref<256xi32, #tpu.memory_space<hbm>>
        tpu.wait_dma2 semaphore(%arg16 : memref<!tpu.dma_semaphore, #tpu.memory_space<semaphore_mem>>) src(%dma_wait3A_116 : memref<256xi32, #tpu.memory_space<hbm>>) dst(%arg6 : memref<256xi32, #tpu.memory_space<vmem>>)
        %dma_start3A_117 = arith.constant 0 : i32
        %dma_start3A_118 = tpu.memref_slice %arg6[%dma_start3A_117] : memref<256xi32, #tpu.memory_space<vmem>> -> memref<128xi32, #tpu.memory_space<vmem>>
        %dma_start3A_119 = arith.constant 0 : i32
        %dma_start3A_120 = arith.constant 0 : i32
        %dma_start3A_121 = tpu.memref_slice %arg3[%dma_start3A_119, %dma_start3A_120] : memref<20000x128xf32, #tpu.memory_space<hbm>> -> memref<20000x128xf32, #tpu.memory_space<hbm>>
        tpu.enqueue_indirect_dma source(%dma_start3A_121 : memref<20000x128xf32, #tpu.memory_space<hbm>>) target(%arg10 : memref<128x128xf32, #tpu.memory_space<vmem>>) offsets(%dma_start3A_118 : memref<128xi32, #tpu.memory_space<vmem>>) semaphore(%arg12 : memref<!tpu.dma_semaphore, #tpu.memory_space<semaphore_mem>>)
        %add3A_122 = arith.constant 2 : i32
        %add3A_123 = arith.addi %add3A_95, %add3A_122 : i32
        %le3A = arith.constant 159 : i32
        %le3A_124 = arith.cmpi sle, %add3A_123, %le3A : i32
        %convert_element_type3A_125 = arith.extui %le3A_124 : i1 to i32
        %cond3A_126 = arith.constant 0 : i32
        %cond3A_127 = arith.cmpi ne, %convert_element_type3A_125, %cond3A_126 : i32
        scf.if %cond3A_127 {
          %add3A_128 = arith.constant 2 : i32
          %add3A_129 = arith.addi %add3A_95, %add3A_128 : i32
          %mul3A_130 = arith.constant 2 : i32
          %mul3A_131 = arith.muli %add3A_129, %mul3A_130 : i32
          %mul3A_132 = arith.constant 128 : i32
          %mul3A_133 = arith.muli %mul3A_131, %mul3A_132 : i32
          %add3A_134 = arith.addi %mul3A_6, %mul3A_133 : i32
          %dma_start3A_135 = tpu.memref_slice %arg2[%add3A_134] : memref<1310720xi32, #tpu.memory_space<hbm>> -> memref<256xi32, #tpu.memory_space<hbm>>
          %dma_start3A_136 = tpu.memref_slice %arg2[%add3A_134] : memref<1310720xi32, #tpu.memory_space<hbm>> -> memref<256xi32, #tpu.memory_space<hbm>>
          tpu.enqueue_dma source(%dma_start3A_136 : memref<256xi32, #tpu.memory_space<hbm>>) target(%arg7 : memref<256xi32, #tpu.memory_space<vmem>>) target_semaphore(%arg17 : memref<!tpu.dma_semaphore, #tpu.memory_space<semaphore_mem>>)
        } else {
        }
      } else {
      }
    }
    %scan3A_19 = arith.constant 40 : i32
    %dma_wait3A = arith.constant 128 : i32
    %dma_wait3A_20 = tpu.memref_slice %arg6[%dma_wait3A] : memref<256xi32, #tpu.memory_space<vmem>> -> memref<128xi32, #tpu.memory_space<vmem>>
    %dma_wait3A_21 = arith.constant 0 : i32
    %dma_wait3A_22 = arith.constant 0 : i32
    %dma_wait3A_23 = tpu.memref_slice %arg20[%dma_wait3A_21, %dma_wait3A_22] : memref<10240x128xf32, #tpu.memory_space<vmem_shared>> -> memref<10240x128xf32, #tpu.memory_space<vmem_shared>>
    tpu.wait_indirect_dma semaphore(%arg14 : memref<!tpu.dma_semaphore, #tpu.memory_space<semaphore_mem>>) src(%arg10 : memref<128x128xf32, #tpu.memory_space<vmem>>) dst(%dma_wait3A_23 : memref<10240x128xf32, #tpu.memory_space<vmem_shared>>)
    %dma_wait3A_24 = arith.constant 128 : i32
    %dma_wait3A_25 = tpu.memref_slice %arg6[%dma_wait3A_24] : memref<256xi32, #tpu.memory_space<vmem>> -> memref<128xi32, #tpu.memory_space<vmem>>
    %dma_wait3A_26 = arith.constant 0 : i32
    %dma_wait3A_27 = arith.constant 0 : i32
    %dma_wait3A_28 = tpu.memref_slice %arg20[%dma_wait3A_26, %dma_wait3A_27] : memref<10240x128xf32, #tpu.memory_space<vmem_shared>> -> memref<10240x128xf32, #tpu.memory_space<vmem_shared>>
    tpu.wait_indirect_dma semaphore(%arg15 : memref<!tpu.dma_semaphore, #tpu.memory_space<semaphore_mem>>) src(%arg11 : memref<128x128xf32, #tpu.memory_space<vmem>>) dst(%dma_wait3A_28 : memref<10240x128xf32, #tpu.memory_space<vmem_shared>>)
    %barrier3A_29 = arith.constant 0 : index
    tpu.barrier barrier_id(%barrier3A_29)
    %mul3A_30 = arith.constant 640 : i32
    %mul3A_31 = arith.muli %arg1, %mul3A_30 : i32
    %mul3A_32 = arith.constant 10240 : i32
    %mul3A_33 = arith.muli %arg0, %mul3A_32 : i32
    %mul3A_34 = arith.constant 640 : i32
    %mul3A_35 = arith.muli %arg1, %mul3A_34 : i32
    %add3A_36 = arith.addi %mul3A_33, %mul3A_35 : i32
    "tpu.region"() ({
      %run_scoped3A = tpu.sem_alloc : memref<!tpu.dma_semaphore, #tpu.memory_space<semaphore_mem>>
      %dma_start3A_37 = arith.constant 0 : i32
      %dma_start3A_38 = tpu.memref_slice %arg5[%add3A_36, %dma_start3A_37] : memref<20480x128xf32, #tpu.memory_space<hbm>> -> memref<640x128xf32, #tpu.memory_space<hbm>>
      %dma_start3A_39 = arith.constant 0 : i32
      %dma_start3A_40 = tpu.memref_slice %arg20[%mul3A_31, %dma_start3A_39] : memref<10240x128xf32, #tpu.memory_space<vmem_shared>> -> memref<640x128xf32, #tpu.memory_space<vmem_shared>>
      tpu.enqueue_dma source(%dma_start3A_40 : memref<640x128xf32, #tpu.memory_space<vmem_shared>>) target(%dma_start3A_38 : memref<640x128xf32, #tpu.memory_space<hbm>>) target_semaphore(%run_scoped3A : memref<!tpu.dma_semaphore, #tpu.memory_space<semaphore_mem>>)
      %dma_wait3A_41 = arith.constant 0 : i32
      %dma_wait3A_42 = tpu.memref_slice %arg5[%add3A_36, %dma_wait3A_41] : memref<20480x128xf32, #tpu.memory_space<hbm>> -> memref<640x128xf32, #tpu.memory_space<hbm>>
      %dma_wait3A_43 = arith.constant 0 : i32
      %dma_wait3A_44 = tpu.memref_slice %arg20[%mul3A_31, %dma_wait3A_43] : memref<10240x128xf32, #tpu.memory_space<vmem_shared>> -> memref<640x128xf32, #tpu.memory_space<vmem_shared>>
      tpu.wait_dma2 semaphore(%run_scoped3A : memref<!tpu.dma_semaphore, #tpu.memory_space<semaphore_mem>>) src(%dma_wait3A_44 : memref<640x128xf32, #tpu.memory_space<vmem_shared>>) dst(%dma_wait3A_42 : memref<640x128xf32, #tpu.memory_space<hbm>>)
      tpu.yield
    }) : () -> ()
    return
  }
}

module attributes {stable_mosaic.version = 14 : i64} {
  func.func @tc_prep1(%arg0: i32, %arg1: memref<1000x128xf32, #tpu.memory_space<vmem>>, %arg2: memref<1000x128xf32, #tpu.memory_space<vmem>>, %arg3: memref<128x128xf32, #tpu.memory_space<vmem>>, %arg4: memref<128x128xf32, #tpu.memory_space<vmem>>, %arg5: memref<1000x128xf32, #tpu.memory_space<vmem>>, %arg6: memref<1000x128xf32, #tpu.memory_space<vmem>>) attributes {dimension_semantics = [#tpu.dimension_semantics<arbitrary>], iteration_bounds = array<i64: 10>, scalar_prefetch = 0 : i64, scratch_operands = 0 : i64, tpu.core_type = #tpu.core_type<tc>, window_params = [{transform_indices = @transform_0, window_bounds = array<i64: 1000, 128>}, {transform_indices = @transform_1, window_bounds = array<i64: 1000, 128>}, {pipeline_mode = #tpu.pipeline_mode<synchronous>, transform_indices = @transform_2, window_bounds = array<i64: 128, 128>}, {pipeline_mode = #tpu.pipeline_mode<synchronous>, transform_indices = @transform_3, window_bounds = array<i64: 128, 128>}, {transform_indices = @transform_4, window_bounds = array<i64: 1000, 128>}, {transform_indices = @transform_5, window_bounds = array<i64: 1000, 128>}]} {
    %get3A = arith.constant 0 : index
    %get3A_0 = arith.constant 0 : index
    %get3A_1 = vector.load %arg4[%get3A, %get3A_0] : memref<128x128xf32, #tpu.memory_space<vmem>>, vector<128x128xf32>
    %dot_general3A = arith.constant dense<0.000000e+00> : vector<128x128xf32>
    %dot_general3A_2 = tpu.matmul %get3A_1, %get3A_1, %dot_general3A {dimension_numbers = #tpu.dot_dimension_numbers<[0], [0], [1], [1], [0, 1, 1, 1], [], []>, transpose_lhs_hint = false} : vector<128x128xf32>, vector<128x128xf32>, vector<128x128xf32> -> vector<128x128xf32>
    %mul3A = arith.mulf %dot_general3A_2, %dot_general3A_2 : vector<128x128xf32>
    %reduce_sum3A = vector.shape_cast %mul3A : vector<128x128xf32> to vector<1x128x128xf32>
    %reduce_sum3A_3 = arith.constant dense<0.000000e+00> : vector<1xf32>
    %reduce_sum3A_4 = vector.multi_reduction <add>, %reduce_sum3A, %reduce_sum3A_3 [1, 2] : vector<1x128x128xf32> to vector<1xf32>
    %reduce_sum3A_5 = vector.shape_cast %reduce_sum3A_4 : vector<1xf32> to vector<1x1x1xf32>
    %reduce_sum3A_6 = vector.extract %reduce_sum3A_5[0, 0, 0] : f32 from vector<1x1x1xf32>
    %sqrt3A = math.sqrt %reduce_sum3A_6 : f32
    %add3A = arith.constant 9.99999974E-6 : f32
    %add3A_7 = arith.addf %sqrt3A, %add3A : f32
    %div3A = arith.constant 0.949999988 : f32
    %div3A_8 = arith.divf %div3A, %add3A_7 : f32
    %mul3A_9 = vector.broadcast %div3A_8 : f32 to vector<128x128xf32>
    %mul3A_10 = arith.mulf %dot_general3A_2, %mul3A_9 : vector<128x128xf32>
    %get3A_11 = arith.constant 0 : index
    %get3A_12 = arith.constant 0 : index
    %get3A_13 = vector.load %arg1[%get3A_11, %get3A_12] : memref<1000x128xf32, #tpu.memory_space<vmem>>, vector<1000x128xf32>
    %get3A_14 = arith.constant 0 : index
    %get3A_15 = arith.constant 0 : index
    %get3A_16 = vector.load %arg3[%get3A_14, %get3A_15] : memref<128x128xf32, #tpu.memory_space<vmem>>, vector<128x128xf32>
    %dot_general3A_17 = arith.constant dense<0.000000e+00> : vector<1000x128xf32>
    %dot_general3A_18 = tpu.matmul %get3A_13, %get3A_16, %dot_general3A_17 {dimension_numbers = #tpu.dot_dimension_numbers<[1], [0], [0], [1], [0, 0, 1, 1], [], []>, transpose_lhs_hint = false} : vector<1000x128xf32>, vector<128x128xf32>, vector<1000x128xf32> -> vector<1000x128xf32>
    %swap3A = arith.constant 0 : index
    %swap3A_19 = arith.constant 0 : index
    %swap3A_20 = vector.load %arg5[%swap3A, %swap3A_19] : memref<1000x128xf32, #tpu.memory_space<vmem>>, vector<1000x128xf32>
    tpu.vector_store %arg5[%swap3A, %swap3A_19], %dot_general3A_18 {strides = array<i32>} : memref<1000x128xf32, #tpu.memory_space<vmem>>, vector<1000x128xf32>,
    %get3A_21 = arith.constant 0 : index
    %get3A_22 = arith.constant 0 : index
    %get3A_23 = vector.load %arg2[%get3A_21, %get3A_22] : memref<1000x128xf32, #tpu.memory_space<vmem>>, vector<1000x128xf32>
    %dot_general3A_24 = arith.constant dense<0.000000e+00> : vector<1000x128xf32>
    %dot_general3A_25 = tpu.matmul %get3A_23, %mul3A_10, %dot_general3A_24 {dimension_numbers = #tpu.dot_dimension_numbers<[1], [0], [0], [1], [0, 0, 1, 1], [], []>, transpose_lhs_hint = false} : vector<1000x128xf32>, vector<128x128xf32>, vector<1000x128xf32> -> vector<1000x128xf32>
    %swap3A_26 = arith.constant 0 : index
    %swap3A_27 = arith.constant 0 : index
    %swap3A_28 = vector.load %arg6[%swap3A_26, %swap3A_27] : memref<1000x128xf32, #tpu.memory_space<vmem>>, vector<1000x128xf32>
    tpu.vector_store %arg6[%swap3A_26, %swap3A_27], %dot_general3A_25 {strides = array<i32>} : memref<1000x128xf32, #tpu.memory_space<vmem>>, vector<1000x128xf32>,
    return
  }
  func.func @transform_0(%arg0: i32) -> (i32, i32) {
    %c0_i32 = arith.constant 0 : i32
    %c0_i32_0 = arith.constant 0 : i32
    return %arg0, %c0_i32 : i32, i32
  }
  func.func @transform_1(%arg0: i32) -> (i32, i32) {
    %c0_i32 = arith.constant 0 : i32
    %c0_i32_0 = arith.constant 0 : i32
    return %arg0, %c0_i32 : i32, i32
  }
  func.func @transform_2(%arg0: i32) -> (i32, i32) {
    %c0_i32 = arith.constant 0 : i32
    %c0_i32_0 = arith.constant 0 : i32
    %c0_i32_1 = arith.constant 0 : i32
    return %c0_i32, %c0_i32_0 : i32, i32
  }
  func.func @transform_3(%arg0: i32) -> (i32, i32) {
    %c0_i32 = arith.constant 0 : i32
    %c0_i32_0 = arith.constant 0 : i32
    %c0_i32_1 = arith.constant 0 : i32
    return %c0_i32, %c0_i32_0 : i32, i32
  }
  func.func @transform_4(%arg0: i32) -> (i32, i32) {
    %c0_i32 = arith.constant 0 : i32
    %c0_i32_0 = arith.constant 0 : i32
    return %arg0, %c0_i32 : i32, i32
  }
  func.func @transform_5(%arg0: i32) -> (i32, i32) {
    %c0_i32 = arith.constant 0 : i32
    %c0_i32_0 = arith.constant 0 : i32
    return %arg0, %c0_i32 : i32, i32
  }
}

module attributes {stable_mosaic.version = 14 : i64} {
  func.func @tc_prep2(%arg0: i32, %arg1: memref<1000x128xf32, #tpu.memory_space<vmem>>, %arg2: memref<1000x128xf32, #tpu.memory_space<vmem>>, %arg3: memref<1x128xf32, #tpu.memory_space<vmem>>, %arg4: memref<2x1000x16xf32, #tpu.memory_space<vmem>>, %arg5: memref<2x1000x128xf32, #tpu.memory_space<vmem>>, %arg6: memref<1000x128xf32, #tpu.memory_space<vmem>>) attributes {dimension_semantics = [#tpu.dimension_semantics<arbitrary>], iteration_bounds = array<i64: 10>, scalar_prefetch = 0 : i64, scratch_operands = 0 : i64, tpu.core_type = #tpu.core_type<tc>, window_params = [{transform_indices = @transform_0, window_bounds = array<i64: 1000, 128>}, {transform_indices = @transform_1, window_bounds = array<i64: 1000, 128>}, {pipeline_mode = #tpu.pipeline_mode<synchronous>, transform_indices = @transform_2, window_bounds = array<i64: 1, 128>}, {transform_indices = @transform_3, window_bounds = array<i64: 2, 1000, 16>}, {transform_indices = @transform_4, window_bounds = array<i64: 2, 1000, 128>}, {transform_indices = @transform_5, window_bounds = array<i64: 1000, 128>}]} {
    %get3A = arith.constant 0 : index
    %get3A_0 = arith.constant 0 : index
    %get3A_1 = arith.constant 0 : index
    %get3A_2 = vector.load %arg4[%get3A, %get3A_0, %get3A_1] : memref<2x1000x16xf32, #tpu.memory_space<vmem>>, vector<1x1000x16xf32>
    %get3A_3 = vector.shape_cast %get3A_2 : vector<1x1000x16xf32> to vector<1000x16xf32>
    %get3A_4 = arith.constant 1 : index
    %get3A_5 = arith.constant 0 : index
    %get3A_6 = arith.constant 0 : index
    %get3A_7 = vector.load %arg4[%get3A_4, %get3A_5, %get3A_6] : memref<2x1000x16xf32, #tpu.memory_space<vmem>>, vector<1x1000x16xf32>
    %get3A_8 = vector.shape_cast %get3A_7 : vector<1x1000x16xf32> to vector<1000x16xf32>
    %add3A = arith.addf %get3A_3, %get3A_8 : vector<1000x16xf32>
    %add3A_9 = arith.constant 1.000000e+00 : f32
    %add3A_10 = vector.broadcast %add3A_9 : f32 to vector<1000x16xf32>
    %add3A_11 = arith.addf %add3A, %add3A_10 : vector<1000x16xf32>
    %rsqrt3A = math.rsqrt %add3A_11 : vector<1000x16xf32>
    %slice3A = vector.extract_strided_slice %rsqrt3A {offsets = [0, 0], sizes = [1000, 1], strides = [1, 1]} : vector<1000x16xf32> to vector<1000x1xf32>
    %get3A_12 = arith.constant 0 : index
    %get3A_13 = arith.constant 0 : index
    %get3A_14 = vector.load %arg1[%get3A_12, %get3A_13] : memref<1000x128xf32, #tpu.memory_space<vmem>>, vector<1000x128xf32>
    %mul3A = vector.broadcast %slice3A : vector<1000x1xf32> to vector<1000x128xf32>
    %mul3A_15 = arith.mulf %mul3A, %get3A_14 : vector<1000x128xf32>
    %swap3A = arith.constant 0 : index
    %swap3A_16 = arith.constant 0 : index
    %swap3A_17 = arith.constant 0 : index
    %swap3A_18 = vector.load %arg5[%swap3A, %swap3A_16, %swap3A_17] : memref<2x1000x128xf32, #tpu.memory_space<vmem>>, vector<1x1000x128xf32>
    %swap3A_19 = vector.shape_cast %swap3A_18 : vector<1x1000x128xf32> to vector<1000x128xf32>
    %swap3A_20 = vector.shape_cast %mul3A_15 : vector<1000x128xf32> to vector<1x1000x128xf32>
    tpu.vector_store %arg5[%swap3A, %swap3A_16, %swap3A_17], %swap3A_20 {strides = array<i32>} : memref<2x1000x128xf32, #tpu.memory_space<vmem>>, vector<1x1000x128xf32>,
    %get3A_21 = arith.constant 0 : index
    %get3A_22 = arith.constant 0 : index
    %get3A_23 = vector.load %arg2[%get3A_21, %get3A_22] : memref<1000x128xf32, #tpu.memory_space<vmem>>, vector<1000x128xf32>
    %swap3A_24 = arith.constant 1 : index
    %swap3A_25 = arith.constant 0 : index
    %swap3A_26 = arith.constant 0 : index
    %swap3A_27 = vector.load %arg5[%swap3A_24, %swap3A_25, %swap3A_26] : memref<2x1000x128xf32, #tpu.memory_space<vmem>>, vector<1x1000x128xf32>
    %swap3A_28 = vector.shape_cast %swap3A_27 : vector<1x1000x128xf32> to vector<1000x128xf32>
    %swap3A_29 = vector.shape_cast %get3A_23 : vector<1000x128xf32> to vector<1x1000x128xf32>
    tpu.vector_store %arg5[%swap3A_24, %swap3A_25, %swap3A_26], %swap3A_29 {strides = array<i32>} : memref<2x1000x128xf32, #tpu.memory_space<vmem>>, vector<1x1000x128xf32>,
    %mul3A_30 = arith.mulf %slice3A, %slice3A : vector<1000x1xf32>
    %mul3A_31 = vector.broadcast %mul3A_30 : vector<1000x1xf32> to vector<1000x128xf32>
    %mul3A_32 = arith.mulf %mul3A_31, %get3A_14 : vector<1000x128xf32>
    %get3A_33 = arith.constant 0 : index
    %get3A_34 = arith.constant 0 : index
    %get3A_35 = vector.load %arg3[%get3A_33, %get3A_34] : memref<1x128xf32, #tpu.memory_space<vmem>>, vector<1x128xf32>
    %add3A_36 = vector.broadcast %get3A_35 : vector<1x128xf32> to vector<1000x128xf32>
    %add3A_37 = arith.addf %mul3A_32, %add3A_36 : vector<1000x128xf32>
    %swap3A_38 = arith.constant 0 : index
    %swap3A_39 = arith.constant 0 : index
    %swap3A_40 = vector.load %arg6[%swap3A_38, %swap3A_39] : memref<1000x128xf32, #tpu.memory_space<vmem>>, vector<1000x128xf32>
    tpu.vector_store %arg6[%swap3A_38, %swap3A_39], %add3A_37 {strides = array<i32>} : memref<1000x128xf32, #tpu.memory_space<vmem>>, vector<1000x128xf32>,
    return
  }
  func.func @transform_0(%arg0: i32) -> (i32, i32) {
    %c0_i32 = arith.constant 0 : i32
    %c0_i32_0 = arith.constant 0 : i32
    return %arg0, %c0_i32 : i32, i32
  }
  func.func @transform_1(%arg0: i32) -> (i32, i32) {
    %c0_i32 = arith.constant 0 : i32
    %c0_i32_0 = arith.constant 0 : i32
    return %arg0, %c0_i32 : i32, i32
  }
  func.func @transform_2(%arg0: i32) -> (i32, i32) {
    %c0_i32 = arith.constant 0 : i32
    %c0_i32_0 = arith.constant 0 : i32
    %c0_i32_1 = arith.constant 0 : i32
    return %c0_i32, %c0_i32_0 : i32, i32
  }
  func.func @transform_3(%arg0: i32) -> (i32, i32, i32) {
    %c0_i32 = arith.constant 0 : i32
    %c0_i32_0 = arith.constant 0 : i32
    %c0_i32_1 = arith.constant 0 : i32
    return %c0_i32, %arg0, %c0_i32_0 : i32, i32, i32
  }
  func.func @transform_4(%arg0: i32) -> (i32, i32, i32) {
    %c0_i32 = arith.constant 0 : i32
    %c0_i32_0 = arith.constant 0 : i32
    %c0_i32_1 = arith.constant 0 : i32
    return %c0_i32, %arg0, %c0_i32_0 : i32, i32, i32
  }
  func.func @transform_5(%arg0: i32) -> (i32, i32) {
    %c0_i32 = arith.constant 0 : i32
    %c0_i32_0 = arith.constant 0 : i32
    return %arg0, %c0_i32 : i32, i32
  }
}

module attributes {stable_mosaic.version = 14 : i64} {
  func.func @tc_combine(%arg0: i32, %arg1: memref<2x1000x128xf32, #tpu.memory_space<vmem>>, %arg2: memref<1000x128xf32, #tpu.memory_space<vmem>>, %arg3: memref<2x1000x16xf32, #tpu.memory_space<vmem>>, %arg4: memref<1000x128xf32, #tpu.memory_space<vmem>>) attributes {dimension_semantics = [#tpu.dimension_semantics<arbitrary>], iteration_bounds = array<i64: 10>, scalar_prefetch = 0 : i64, scratch_operands = 0 : i64, tpu.core_type = #tpu.core_type<tc>, window_params = [{transform_indices = @transform_0, window_bounds = array<i64: 2, 1000, 128>}, {transform_indices = @transform_1, window_bounds = array<i64: 1000, 128>}, {transform_indices = @transform_2, window_bounds = array<i64: 2, 1000, 16>}, {transform_indices = @transform_3, window_bounds = array<i64: 1000, 128>}]} {
    %get3A = arith.constant 0 : index
    %get3A_0 = arith.constant 0 : index
    %get3A_1 = arith.constant 0 : index
    %get3A_2 = vector.load %arg3[%get3A, %get3A_0, %get3A_1] : memref<2x1000x16xf32, #tpu.memory_space<vmem>>, vector<1x1000x16xf32>
    %get3A_3 = vector.shape_cast %get3A_2 : vector<1x1000x16xf32> to vector<1000x16xf32>
    %get3A_4 = arith.constant 1 : index
    %get3A_5 = arith.constant 0 : index
    %get3A_6 = arith.constant 0 : index
    %get3A_7 = vector.load %arg3[%get3A_4, %get3A_5, %get3A_6] : memref<2x1000x16xf32, #tpu.memory_space<vmem>>, vector<1x1000x16xf32>
    %get3A_8 = vector.shape_cast %get3A_7 : vector<1x1000x16xf32> to vector<1000x16xf32>
    %add3A = arith.addf %get3A_3, %get3A_8 : vector<1000x16xf32>
    %add3A_9 = arith.constant 1.000000e+00 : f32
    %add3A_10 = vector.broadcast %add3A_9 : f32 to vector<1000x16xf32>
    %add3A_11 = arith.addf %add3A, %add3A_10 : vector<1000x16xf32>
    %rsqrt3A = math.rsqrt %add3A_11 : vector<1000x16xf32>
    %slice3A = vector.extract_strided_slice %rsqrt3A {offsets = [0, 0], sizes = [1000, 1], strides = [1, 1]} : vector<1000x16xf32> to vector<1000x1xf32>
    %get3A_12 = arith.constant 0 : index
    %get3A_13 = arith.constant 0 : index
    %get3A_14 = arith.constant 0 : index
    %get3A_15 = vector.load %arg1[%get3A_12, %get3A_13, %get3A_14] : memref<2x1000x128xf32, #tpu.memory_space<vmem>>, vector<1x1000x128xf32>
    %get3A_16 = vector.shape_cast %get3A_15 : vector<1x1000x128xf32> to vector<1000x128xf32>
    %mul3A = vector.broadcast %slice3A : vector<1000x1xf32> to vector<1000x128xf32>
    %mul3A_17 = arith.mulf %mul3A, %get3A_16 : vector<1000x128xf32>
    %get3A_18 = arith.constant 1 : index
    %get3A_19 = arith.constant 0 : index
    %get3A_20 = arith.constant 0 : index
    %get3A_21 = vector.load %arg1[%get3A_18, %get3A_19, %get3A_20] : memref<2x1000x128xf32, #tpu.memory_space<vmem>>, vector<1x1000x128xf32>
    %get3A_22 = vector.shape_cast %get3A_21 : vector<1x1000x128xf32> to vector<1000x128xf32>
    %add3A_23 = arith.addf %mul3A_17, %get3A_22 : vector<1000x128xf32>
    %get3A_24 = arith.constant 0 : index
    %get3A_25 = arith.constant 0 : index
    %get3A_26 = vector.load %arg2[%get3A_24, %get3A_25] : memref<1000x128xf32, #tpu.memory_space<vmem>>, vector<1000x128xf32>
    %add3A_27 = arith.addf %add3A_23, %get3A_26 : vector<1000x128xf32>
    %swap3A = arith.constant 0 : index
    %swap3A_28 = arith.constant 0 : index
    %swap3A_29 = vector.load %arg4[%swap3A, %swap3A_28] : memref<1000x128xf32, #tpu.memory_space<vmem>>, vector<1000x128xf32>
    tpu.vector_store %arg4[%swap3A, %swap3A_28], %add3A_27 {strides = array<i32>} : memref<1000x128xf32, #tpu.memory_space<vmem>>, vector<1000x128xf32>,
    return
  }
  func.func @transform_0(%arg0: i32) -> (i32, i32, i32) {
    %c0_i32 = arith.constant 0 : i32
    %c0_i32_0 = arith.constant 0 : i32
    %c0_i32_1 = arith.constant 0 : i32
    return %c0_i32, %arg0, %c0_i32_0 : i32, i32, i32
  }
  func.func @transform_1(%arg0: i32) -> (i32, i32) {
    %c0_i32 = arith.constant 0 : i32
    %c0_i32_0 = arith.constant 0 : i32
    return %arg0, %c0_i32 : i32, i32
  }
  func.func @transform_2(%arg0: i32) -> (i32, i32, i32) {
    %c0_i32 = arith.constant 0 : i32
    %c0_i32_0 = arith.constant 0 : i32
    %c0_i32_1 = arith.constant 0 : i32
    return %c0_i32, %arg0, %c0_i32_0 : i32, i32, i32
  }
  func.func @transform_3(%arg0: i32) -> (i32, i32) {
    %c0_i32 = arith.constant 0 : i32
    %c0_i32_0 = arith.constant 0 : i32
    return %arg0, %c0_i32 : i32, i32
  }
}

</mosaic_0001>

<sc_bundles>
// kernel: sc_deg.3.cloned.1.call-start
scs
__scs_entry_jumppad:
0x0: {  	(pc) =	sbr.rel $0x88, $3  }
0x1: {  	(tag) =	ssettag $0x0;
	lr =	simm.s32 $0x1  }
0x2: {  	[smem:$0x3F9B] =	sst lr;
	_ =	strace $0xD0000000  }
0x3: {  	_ = 	snop  }
0x4: {  	_ = 	snop  }
0x5: {  	_ = 	snop  }
0x6: {  	_ = 	snop  }
0x7: {  	_ = 	snop  }
__scs_overlays_trampoline_lowered:
0x8: {  	[smem:$0x3FAA] =	sst s0  }
0x9: {  	[smem:$0x3FAB] =	sst s1  }
0xa: {  	[smem:$0x3FAC] =	sst s2  }
0xb: {  	[smem:$0x3FAD] =	sst s3  }
0xc: {  	[smem:$0x3FAE] =	sst s4  }
0xd: {  	[smem:$0x3FAF] =	sst s5  }
0xe: {  	[smem:$0x3FB0] =	sst s6  }
0xf: {  	[smem:$0x3FB1] =	sst s7  }
0x10: {  	[smem:$0x3FB2] =	sst s8  }
0x11: {  	[smem:$0x3FB3] =	sst s9;
	s0 =	simm.s32 @!p0 $0x0  }
0x12: {  	s1 =	sld [smem:$0x3F99];
	s0 =	simm.s32 @p0 $0x1  }
0x13: {  	[smem:$0x3FB4] =	sst s0;
	s0 =	simm.s32 @!p1 $0x0  }
0x14: {  	s2 =	sld [smem:$0x3F98];
	s0 =	simm.s32 @p1 $0x1  }
0x15: {  	[smem:$0x3FB5] =	sst s0;
	s0 =	simm.s32 @!p2 $0x0  }
0x16: {  	s3 =	sld [smem:$0x3FDB];
	s0 =	simm.s32 @p2 $0x1  }
0x17: {  	s4 =	simm.s32 $0x1BF5;
	[smem:$0x3FB7] =	sst s0  }
0x18: {  	s0 =	sld [smem:$0x3F9A];
	_ =	swait.ge [sflag:s4], $0x0  }
0x19: {  	s7 =	sld [smem:$0x3F9B]  }
0x1a: {  	s8 =	sadd.s32 $0xFFFFE003, lr  }
0x1b: {  	s9 =	sadd.s32 $0xFFFFFEF7, lr;
	s5 =	simm.s32 $0xFFFFFFFF;
	p2 =	slt.u32 s8, $0xFFFFF086  }
0x1c: {  	p1 =	slt.u32 s9, $0xF7A;
	s5 =	simm.s32 @!p2 $0x0  }
0x1d: {  	s5 =	simm.s32 @p1 $0x1;
	p0 =	seq.s32 s7, s2  }
0x1e: {  	s7 =	smul.u32 @!p0 $0xF7A, s2;
	p2 =	seq.s32 @!p0 s5, $0x0  }
0x1f: {  	s9 =	smul.u32 $0xF7A, s1;
	s8 =	simm.s32 @!p0 $0x1BF5;
	p2 =	por !p2, p0  }
0x20: {  	[sflag:s8] =	ssyncset.s32 @!p0 $0xFFFFF086;
	s6 =	sadd.s32 @!p0 s3, s7;
	s7 =	simm.s32 @!p0 $0x108  }
0x21: {  	s3 =	sadd.s32 s3, s9;
	s6 =	sadd.s32 @!p0 $0x88, s6;
	s7 =	simm.s32 @p2 $0x1082  }
0x22: {  	[simem:s7], [sflag:s8] =	dma.local @!p0 [hbm:s6], $0xF7A  }
0x23: {  	s9 =	sor.u32 $0xD0000000, s2;
	s6 =	simm.s32 $0x108;
	_ =	swait.ge @!p0 [sflag:s8], $0x0  }
0x24: {  	s3 =	sadd.s32 $0x88, s3;
	s6 =	simm.s32 @!p1 $0x1082;
	[sflag:s4] =	ssyncset.s32 $0xFFFFF086  }
0x25: {  	[simem:s6], [sflag:s4] =	dma.local [hbm:s3], $0xF7A  }
0x26: {  	[smem:$0x3F9B] =	sst s1;
	(tag) =	ssettag s2;
	_ =	strace s9  }
0x27: {  	s1 =	sld [smem:$0x3FAB]  }
0x28: {  	s2 =	sld [smem:$0x3FAC]  }
0x29: {  	s4 =	sld [smem:$0x3FAE]  }
0x2a: {  	p0 =	seq.s32 s5, $0x0;
	s5 =	sld [smem:$0x3FAF]  }
0x2b: {  	s6 =	sld [smem:$0x3FB0]  }
0x2c: {  	s7 =	sld [smem:$0x3FB1]  }
0x2d: {  	s3 =	simm.s32 $0x108;
	s8 =	sld [smem:$0x3FB2]  }
0x2e: {  	s3 =	simm.s32 @!p0 $0x1082;
	s9 =	sld [smem:$0x3FB3]  }
0x2f: {  	lr =	sadd.s32 s0, s3;
	s0 =	sld [smem:$0x3FAA]  }
0x30: {  	s3 =	sld [smem:$0x3FAD]  }
0x31: {  	[smem:$0x3FB6] =	sst s10  }
0x32: {  	s10 =	sld [smem:$0x3FB4];
	_ =	sdelay $0x3  }
0x33: {  	p0 =	seq.s32 s10, $0x1;
	s10 =	sld [smem:$0x3FB6];
	_ =	sdelay $0x3  }
0x34: {  	[smem:$0x3FB6] =	sst s10  }
0x35: {  	s10 =	sld [smem:$0x3FB5];
	_ =	sdelay $0x3  }
0x36: {  	p1 =	seq.s32 s10, $0x1;
	s10 =	sld [smem:$0x3FB6];
	_ =	sdelay $0x3  }
0x37: {  	[smem:$0x3FB6] =	sst s10  }
0x38: {  	s10 =	sld [smem:$0x3FB7]  }
0x39: {  	_ = 	snop;
	(pc) =	sbr.ind lr, $3  }
0x3a: {  	_ = 	snop  }
0x3b: {  	_ = 	snop  }
0x3c: {  	p2 =	seq.s32 s10, $0x1;
	s10 =	sld [smem:$0x3FB6]  }
0x3d: {  	_ =	shalt  }
0x3e: {  	_ =	shalt  }
0x3f: {  	_ =	shalt  }
0x40: {  	_ =	shalt  }
0x41: {  	_ =	shalt  }
0x42: {  	_ =	shalt  }
0x43: {  	_ =	shalt  }
0x44: {  	_ =	shalt  }
0x45: {  	_ =	shalt  }
0x46: {  	_ =	shalt  }
0x47: {  	_ =	shalt  }
0x48: {  	_ =	shalt  }
0x49: {  	_ =	shalt  }
0x4a: {  	_ =	shalt  }
0x4b: {  	_ =	shalt  }
0x4c: {  	_ =	shalt  }
0x4d: {  	_ =	shalt  }
0x4e: {  	_ =	shalt  }
0x4f: {  	_ =	shalt  }
0x50: {  	_ =	shalt  }
0x51: {  	_ =	shalt  }
0x52: {  	_ =	shalt  }
0x53: {  	_ =	shalt  }
0x54: {  	_ =	shalt  }
0x55: {  	_ =	shalt  }
0x56: {  	_ =	shalt  }
0x57: {  	_ =	shalt  }
0x58: {  	_ =	shalt  }
0x59: {  	_ =	shalt  }
0x5a: {  	_ =	shalt  }
0x5b: {  	_ =	shalt  }
0x5c: {  	_ =	shalt  }
0x5d: {  	_ =	shalt  }
0x5e: {  	_ =	shalt  }
0x5f: {  	_ =	shalt  }
0x60: {  	_ =	shalt  }
0x61: {  	_ =	shalt  }
0x62: {  	_ =	shalt  }
0x63: {  	_ =	shalt  }
0x64: {  	_ =	shalt  }
0x65: {  	_ =	shalt  }
0x66: {  	_ =	shalt  }
0x67: {  	_ =	shalt  }
0x68: {  	_ =	shalt  }
0x69: {  	_ =	shalt  }
0x6a: {  	_ =	shalt  }
0x6b: {  	_ =	shalt  }
0x6c: {  	_ =	shalt  }
0x6d: {  	_ =	shalt  }
0x6e: {  	_ =	shalt  }
0x6f: {  	_ =	shalt  }
0x70: {  	_ =	shalt  }
0x71: {  	_ =	shalt  }
0x72: {  	_ =	shalt  }
0x73: {  	_ =	shalt  }
0x74: {  	_ =	shalt  }
0x75: {  	_ =	shalt  }
0x76: {  	_ =	shalt  }
0x77: {  	_ =	shalt  }
0x78: {  	_ =	shalt  }
0x79: {  	_ =	shalt  }
0x7a: {  	_ =	shalt  }
0x7b: {  	_ =	shalt  }
0x7c: {  	_ =	shalt  }
0x7d: {  	_ =	shalt  }
0x7e: {  	_ =	shalt  }
0x7f: {  	_ =	shalt  }
0x80: {  	_ =	shalt  }
0x81: {  	_ =	shalt  }
0x82: {  	_ =	shalt  }
0x83: {  	_ =	shalt  }
0x84: {  	_ =	shalt  }
0x85: {  	_ =	shalt  }
0x86: {  	_ =	shalt  }
0x87: {  	_ =	shalt  }
.Lfunc_end0:
.L_simem_size_0:
called_computation_lowered:
.L_overlay_start_0:
0x88: {  	s2 =	sld [smem:$0x3FD9]  }
0x89: {  	s3 =	sld [smem:$0x3FFE];
	_ =	sdelay $0x1  }
0x8a: {  	s1 =	srdreg.scid  }
0x8b: {  	s0 =	sand.u32 $0x1, s1  }
0x8c: {  	s17 =	sshll.u32 s0, $0xA;
	s2 =	sadd.s32 s3, s2  }
0x8d: {  	s2 =	sadd.s32 s2, s17  }
0x8e: {  	[smem:$0x3FC2] =	sst s2  }
0x8f: {  	_ = 	snop  }
0x90: {  	s2 =	sld [smem:$0x3FD0];
	(tm) =	ssettm $0x1  }
0x91: {  	s18 =	sld [smem:$0x3FFB];
	_ =	sdelay $0x3  }
0x92: {  	_ =	strace s18  }
0x93: {  	s3 =	sld [smem:$0x3FFC];
	_ =	sdelay $0x3  }
0x94: {  	_ =	strace s3  }
0x95: {  	s3 =	sld [smem:$0x3FFD];
	_ =	sdelay $0x3  }
0x96: {  	_ =	strace s3  }
0x97: {  	_ =	strace $0x8FFFFFFF  }
0x98: {  	s19 =	sld [smem:$0x3FDB];
	_ =	sdelay $0x1  }
0x99: {  	s4 =	simm.s32 $_scs_section_size  }
0x9a: {  	s5 =	simm.s32 $_size__tile_overlayer_lowered;
	s6 =	simm.s32 $_tile_overlayer_lowered  }
0x9b: {  	s22 =	simm.s32 $0x1BFF;
	s21 =	sshll.u32 s6, $0x1;
	s3 =	sadd.s32 s4, s19  }
0x9c: {  	s7 =	simm.s32 $0x0;
	s20 =	sshll.u32 s5, $0x1;
	s5 =	sadd.s32 s21, s3  }
0x9d: {  	[timem:s7], [sflag:s22] =	dma.local [hbm:s5], s20  }
0x9e: {  	_ =	swait.ge [sflag:s22], s20  }
0x9f: {  	s4 =	ssub.s32 $0x0, s20;
	[sflag:s22] =	ssyncset.done $0x0  }
0xa0: {  	[sflag:s22] =	ssyncadd.s32 s4;
	_ =	sdelay $0x1  }
0xa1: {  	s23 =	simm.s32 $0x1B8B  }
0xa2: {  	_ =	swait.ge [sflag:s23], $0x1  }
0xa3: {  	[sflag:s23] =	ssyncset.done $0x0  }
0xa4: {  	s25 =	simm.s32 $0x1B8E;
	s24 =	sld [smem:$0x3FFE];
	[sflag:s23] =	ssyncadd.s32 $0xFFFFFFFF  }
0xa5: {  	s26 =	simm.s32 $execute0_lowered;
	[smem:$0x3FD2] =	sst s25  }
0xa6: {  	s5 =	sshll.u32 s26, $0x1;
	_ =	strace $0x80000046;
	[dreg:$0x1] =	wrdreg $0xFFFFFFFF  }
0xa7: {  	s28 =	simm.s32 $_size_execute0_lowered;
	s3 =	sadd.s32 s3, s5;
	[dreg:$0x0] =	wrdreg $0x0  }
0xa8: {  	s5 =	sshll.u32 s28, $0x1;
	[dreg:$0x2] =	wrdreg s3  }
0xa9: {  	[dreg:$0x3] =	wrdreg s5  }
0xaa: {  	[dreg:$0x4] =	wrdreg $0xC0  }
0xab: {  	_ =	task [dreg:s7], $0x5FFFF  }
0xac: {  	[dreg:$0x1] =	wrdreg $0xFFFFFFFF  }
0xad: {  	[dreg:$0x0] =	wrdreg $0x60  }
0xae: {  	[dreg:$0x2] =	wrdreg s2  }
0xaf: {  	[dreg:$0x3] =	wrdreg s24  }
0xb0: {  	[dreg:$0x4] =	wrdreg $0x68000  }
0xb1: {  	[dreg:$0x5] =	wrdreg $0x9  }
0xb2: {  	_ =	task.clear_ibuf [dreg:s7], $0x6FFFF;
	_ =	strace $0x90000046  }
0xb3: {  	s29 =	simm.s32 $0x9;
	_ =	strace $0x80000048  }
0xb4: {  	_ =	swait.ge [sflag:s29], $0x1  }
0xb5: {  	[sflag:s29] =	ssyncadd.s32 $0xFFFFFFFF  }
0xb6: {  	_ =	strace $0x90000048  }
0xb7: {  	_ =	sfence  }
0xb8: {  	s30 =	sld [smem:$0x0];
	_ =	sdelay $0x2  }
0xb9: {  	s31 =	sshll.u32 s1, $0xD;
	s1 =	sshrl.u32 s1, $0x2  }
0xba: {  	s3 =	sand.u32 $0x4000, s31;
	s1 =	sadd.s32 s1, s30  }
0xbb: {  	s0 =	sor.u32 s3, s0;
	s1 =	sshll.u32 s1, $0x11  }
0xbc: {  	s0 =	sor.u32 s1, s0  }
0xbd: {  	s0 =	sadd.s32 $0x8F2B, s0  }
0xbe: {  	[sflag:s0] =	ssyncadd.remote.s32 $0x1  }
0xbf: {  	_ =	sfence.sel $0xFFFF  }
0xc0: {  	[dreg:$0x0] =	wrdreg $0xFFFFFFFF;
	(pc) =	sbr.abs _section_cstart, $3  }
0xc1: {  	[dreg:$0x1] =	wrdreg $0xFFFFFFFF  }
0xc2: {  	_ =	task.clear_ibuf [dreg:s7], $0x2FFFF;
	_ =	strace $0x9FFFFFFF  }
0xc3: {  	(tm) =	ssettm $0x7FFFFFFF  }
tec
execute0_lowered:
.L_overlay_start_1:
0x0: {  	(tag) =	ssettag $0x1  }
0x1: {  	s7 =	rddreg [dreg:$0x0]  }
0x2: {  	s6 =	rddreg [dreg:$0x1]  }
0x3: {  	s2 =	rddreg [dreg:$0x2]  }
0x4: {  	s0 =	rddreg [dreg:$0x3]  }
0x5: {  	s4 =	srdreg.scid;
	s1 =	stileid.u32  }
0x6: {  	s3 =	simm.s32 $0x0;
	s13 =	simm.s32 $0x80;
	s14 =	simm.s32 $0x1  }
0x7: {  	s15 =	simm.s32 $0x0;
	s8 =	sand.u32 $0x1, s4;
	s9 =	smul.u32 $0x2800, s1  }
0x8: {  	[smem:$0x7FF] =	sst s3;
	s4 =	sadd.s32 $0x1C00, s6;
	s11 =	smul.u32 $0x50000, s1  }
0x9: {  	s5 =	sadd.s32 $0x2400, s6;
	s12 =	sshll.u32 s1, $0x6;
	s10 =	smul.u32 $0x28000, s8  }
0xa: {  	_ =	strace $0x80000047;
	s30 =	ssub.s32 $0x2, s8;
	s8 =	sshll.u32 s8, $0x4  }
0xb: {  	s31 =	sshrl.u32 s30, $0x1;
	s8 =	sor.u32 s1, s8;
	s11 =	sshrl.u32 s11, $0x2  }
0xc: {  	s9 =	sadd.s32 s9, s10;
	s8 =	smul.u32 $0x500, s8;
	s10 =	ssub.s32 s30, s31  }
0xd: {  	s11 =	sadd.s32 s11, s2;
	s9 =	sadd.s32 s9, s6;
	s6 =	sor.u32 $0x1C02, s12  }
0xe: {  	s12 =	simm.s32 $0x2800;
	s7 =	sadd.s32 s7, s8;
	s8 =	sadd.s32 $0x4C00, s9  }
0xf: {  	s9 =	smax.u32 s10, $0x1;
	s10 =	sshrl.u32 s11, $0x3;
	s11 =	simm.s32 $0x2  }
.LBB2_1:
0x10: {  	[spmem:s10], [sflag:s6] =	dma.local [hbm:s5], $0x2800  }
0x11: {  	_ =	swait.ge [sflag:s11], $0x2800  }
0x12: {  	[sflag:s11] =	ssyncset.done $0x0  }
0x13: {  	[sflag:s11] =	ssyncadd.s32 $0xFFFFD800  }
0x14: {  	[tilespmem:s12], [sflag:$0x2] =	stream.linear.gather [hbm4b:s4+s3], $0x4000, $0x38;
	[tilespmem:$0x1A800] =	vst v63  }
0x15: {  	_ =	swait.ge [sflag:s11], $0x4000  }
0x16: {  	[sflag:s11] =	ssyncset.done $0x0  }
0x17: {  	[sflag:s11] =	ssyncadd.s32 $0xFFFFC000  }
0x18: {  	[tilespmem:s3], [sflag:$0x2] =	stream.linear.gather [hbm4b:s7+s3], $0x2800, $0x38;
	[tilespmem:$0x1A800] =	vst v63  }
0x19: {  	_ =	swait.ge [sflag:s11], $0x2800  }
0x1a: {  	[sflag:s11] =	ssyncset.done $0x0  }
0x1b: {  	p0 =	por $0x1, $0x1;
	[sflag:s11] =	ssyncadd.s32 $0xFFFFD800  }
0x1c: {  	s18 =	simm.s32 @!p0 $0x1;
	[bflag:$0x0] =	sbarrier.arrive $0xFFFF  }
0x1d: {  	[spmem:s2] =	stream.indirect.scatter.add.f32 [tilespmem:s12], [sflag:$0x1], $0x80, s3, s13, $0xb8;
	[tilespmem:$0x1A800] =	vst v63  }
0x1e: {  	_ =	swait.ge @!p0 [sflag:s18], $0x4000  }
0x1f: {  	s16 =	simm.s32 $0x1;
	s17 =	simm.s32 $0x0;
	[sflag:s18] =	ssyncset.done @!p0 $0x0  }
.LBB2_2:
0x20: {  	[sflag:s18] =	ssyncadd.s32 @!p0 $0xFFFFC000  }
0x21: {  	s17 =	sadd.s32 $0x80, s17;
	s18 =	smov.u32 s16;
	s16 =	sadd.s32 $0x1, s16  }
0x22: {  	p1 =	sne.s32 s16, $0x50  }
0x23: {  	[spmem:s2] =	stream.indirect.scatter.add.f32 [tilespmem:s12], [sflag:$0x1], $0x80, s17, s13, $0xb8;
	[tilespmem:$0x1A800] =	vst v63  }
.Ltmp0:
0x24: {  	_ = 	snop;
	(pc) =	sbr.rel @p1 .LBB2_2-.Ltmp0, $4  }
0x25: {  	p0 =	slt.u32 s18, $0x10  }
0x26: {  	s18 =	simm.s32 @!p0 $0x1  }
0x27: {  	_ =	swait.ge @!p0 [sflag:s18], $0x4000  }
0x28: {  	[sflag:s18] =	ssyncset.done @!p0 $0x0  }
0x29: {  	[sflag:s18] =	ssyncadd.s32 @!p0 $0xFFFFC000  }
0x2a: {  	_ =	swait.ge [sflag:s14], $0x4000  }
0x2b: {  	[sflag:s14] =	ssyncset.done $0x0  }
0x2c: {  	[sflag:s14] =	ssyncadd.s32 $0xFFFFC000  }
0x2d: {  	_ =	swait.ge [sflag:s14], $0x4000  }
0x2e: {  	[sflag:s14] =	ssyncset.done $0x0  }
0x2f: {  	[sflag:s14] =	ssyncadd.s32 $0xFFFFC000  }
0x30: {  	_ =	swait.ge [sflag:s14], $0x4000  }
0x31: {  	[sflag:s14] =	ssyncset.done $0x0  }
0x32: {  	[sflag:s14] =	ssyncadd.s32 $0xFFFFC000  }
0x33: {  	_ =	swait.ge [sflag:s14], $0x4000  }
0x34: {  	[sflag:s14] =	ssyncset.done $0x0  }
0x35: {  	[sflag:s14] =	ssyncadd.s32 $0xFFFFC000  }
0x36: {  	_ =	swait.ge [sflag:s14], $0x4000  }
0x37: {  	[sflag:s14] =	ssyncset.done $0x0  }
0x38: {  	[sflag:s14] =	ssyncadd.s32 $0xFFFFC000  }
0x39: {  	_ =	swait.ge [sflag:s14], $0x4000  }
0x3a: {  	[sflag:s14] =	ssyncset.done $0x0  }
0x3b: {  	[sflag:s14] =	ssyncadd.s32 $0xFFFFC000  }
0x3c: {  	_ =	swait.ge [sflag:s14], $0x4000  }
0x3d: {  	[sflag:s14] =	ssyncset.done $0x0  }
0x3e: {  	[sflag:s14] =	ssyncadd.s32 $0xFFFFC000  }
0x3f: {  	_ =	swait.ge [sflag:s14], $0x4000  }
0x40: {  	[sflag:s14] =	ssyncset.done $0x0  }
0x41: {  	[sflag:s14] =	ssyncadd.s32 $0xFFFFC000  }
0x42: {  	_ =	swait.ge [sflag:s14], $0x4000  }
0x43: {  	[sflag:s14] =	ssyncset.done $0x0  }
0x44: {  	[sflag:s14] =	ssyncadd.s32 $0xFFFFC000  }
0x45: {  	_ =	swait.ge [sflag:s14], $0x4000  }
0x46: {  	[sflag:s14] =	ssyncset.done $0x0  }
0x47: {  	[sflag:s14] =	ssyncadd.s32 $0xFFFFC000  }
0x48: {  	_ =	swait.ge [sflag:s14], $0x4000  }
0x49: {  	[sflag:s14] =	ssyncset.done $0x0  }
0x4a: {  	[sflag:s14] =	ssyncadd.s32 $0xFFFFC000  }
0x4b: {  	_ =	swait.ge [sflag:s14], $0x4000  }
0x4c: {  	[sflag:s14] =	ssyncset.done $0x0  }
0x4d: {  	[sflag:s14] =	ssyncadd.s32 $0xFFFFC000  }
0x4e: {  	_ =	swait.ge [sflag:s14], $0x4000  }
0x4f: {  	[sflag:s14] =	ssyncset.done $0x0  }
0x50: {  	[sflag:s14] =	ssyncadd.s32 $0xFFFFC000  }
0x51: {  	_ =	swait.ge [sflag:s14], $0x4000  }
0x52: {  	[sflag:s14] =	ssyncset.done $0x0  }
0x53: {  	[sflag:s14] =	ssyncadd.s32 $0xFFFFC000  }
0x54: {  	_ =	swait.ge [sflag:s14], $0x4000  }
0x55: {  	[sflag:s14] =	ssyncset.done $0x0  }
0x56: {  	[sflag:s14] =	ssyncadd.s32 $0xFFFFC000  }
0x57: {  	_ =	swait.ge [sflag:s14], $0x4000  }
0x58: {  	s15 =	sadd.s32 $0x1, s15;
	[sflag:s14] =	ssyncset.done $0x0  }
0x59: {  	p0 =	sne.s32 s15, s9;
	[sflag:s14] =	ssyncadd.s32 $0xFFFFC000  }
.Ltmp1:
0x5a: {  	[bflag:$0x0] =	sbarrier.arrive $0xFFFF;
	(pc) =	sbr.rel @p0 .LBB2_1-.Ltmp1, $4  }
0x5b: {  	[hbm:s8], [sflag:s6] =	dma.local [spmem:s10], $0x2800  }
0x5c: {  	_ =	swait.ge [sflag:s11], $0x2800  }
0x5d: {  	[sflag:s11] =	ssyncset.done $0x0  }
0x5e: {  	[sflag:s11] =	ssyncadd.s32 $0xFFFFD800  }
0x5f: {  	_ =	sfence.sel $0x180000  }
0x60: {  	[bflag:$0x0] =	sbarrier.arrive $0xFFFF  }
0x61: {  	p0 =	sne.s32 s1, $0x0;
	_ =	strace $0x90000047  }
0x62: {  	s0 =	sadd.s32 @!p0 $0x100000, s0;
	[bflag:$0x2] =	sbarrier.arrive $0xFFFF  }
0x63: {  	[sflag:s0] =	ssyncadd.tile.s32 @!p0 $0x1;
	_ =	shalt  }
.Lfunc_end2:
_tile_overlayer_lowered:
.L_overlay_start_2:
0x64: {  	(tag) =	ssettag $0x2  }
0x65: {  	s0 =	rddreg [dreg:$0x0];
	s2 =	stileid.u32  }
0x66: {  	s1 =	rddreg [dreg:$0x1];
	p0 =	sne.s32 s2, $0x0  }
0x67: {  	s3 =	rddreg [dreg:$0x2];
	[bflag:$0x3] =	sbarrier.arrive $0xFFFF;
	s2 =	simm.s32 @!p0 $0x1C02  }
0x68: {  	[timem:s3], [sflag:s2] =	dma.local @!p0 [hbm:s0], s1  }
0x69: {  	s0 =	simm.s32 @!p0 $0x2  }
0x6a: {  	_ =	swait.ge @!p0 [sflag:s0], s1  }
0x6b: {  	s1 =	ssub.s32 @!p0 $0x0, s1;
	[sflag:s0] =	ssyncset.done @!p0 $0x0  }
0x6c: {  	[sflag:s0] =	ssyncadd.s32 @!p0 s1  }
0x6d: {  	[bflag:$0x3] =	sbarrier.arrive $0xFFFF  }
0x6e: {  	_ =	shalt  }

// kernel: sc_main.3.cloned.1.call-start
scs
__scs_entry_jumppad:
0x0: {  	(pc) =	sbr.rel $0x88, $3  }
0x1: {  	(tag) =	ssettag $0x0;
	lr =	simm.s32 $0x1  }
0x2: {  	[smem:$0x3F9B] =	sst lr;
	_ =	strace $0xD0000000  }
0x3: {  	_ = 	snop  }
0x4: {  	_ = 	snop  }
0x5: {  	_ = 	snop  }
0x6: {  	_ = 	snop  }
0x7: {  	_ = 	snop  }
__scs_overlays_trampoline_lowered:
0x8: {  	[smem:$0x3FAA] =	sst s0  }
0x9: {  	[smem:$0x3FAB] =	sst s1  }
0xa: {  	[smem:$0x3FAC] =	sst s2  }
0xb: {  	[smem:$0x3FAD] =	sst s3  }
0xc: {  	[smem:$0x3FAE] =	sst s4  }
0xd: {  	[smem:$0x3FAF] =	sst s5  }
0xe: {  	[smem:$0x3FB0] =	sst s6  }
0xf: {  	[smem:$0x3FB1] =	sst s7  }
0x10: {  	[smem:$0x3FB2] =	sst s8  }
0x11: {  	[smem:$0x3FB3] =	sst s9;
	s0 =	simm.s32 @!p0 $0x0  }
0x12: {  	s1 =	sld [smem:$0x3F99];
	s0 =	simm.s32 @p0 $0x1  }
0x13: {  	[smem:$0x3FB4] =	sst s0;
	s0 =	simm.s32 @!p1 $0x0  }
0x14: {  	s2 =	sld [smem:$0x3F98];
	s0 =	simm.s32 @p1 $0x1  }
0x15: {  	[smem:$0x3FB5] =	sst s0;
	s0 =	simm.s32 @!p2 $0x0  }
0x16: {  	s3 =	sld [smem:$0x3FDB];
	s0 =	simm.s32 @p2 $0x1  }
0x17: {  	s4 =	simm.s32 $0x1BF5;
	[smem:$0x3FB7] =	sst s0  }
0x18: {  	s0 =	sld [smem:$0x3F9A];
	_ =	swait.ge [sflag:s4], $0x0  }
0x19: {  	s7 =	sld [smem:$0x3F9B]  }
0x1a: {  	s8 =	sadd.s32 $0xFFFFE003, lr  }
0x1b: {  	s9 =	sadd.s32 $0xFFFFFEF7, lr;
	s5 =	simm.s32 $0xFFFFFFFF;
	p2 =	slt.u32 s8, $0xFFFFF086  }
0x1c: {  	p1 =	slt.u32 s9, $0xF7A;
	s5 =	simm.s32 @!p2 $0x0  }
0x1d: {  	s5 =	simm.s32 @p1 $0x1;
	p0 =	seq.s32 s7, s2  }
0x1e: {  	s7 =	smul.u32 @!p0 $0xF7A, s2;
	p2 =	seq.s32 @!p0 s5, $0x0  }
0x1f: {  	s9 =	smul.u32 $0xF7A, s1;
	s8 =	simm.s32 @!p0 $0x1BF5;
	p2 =	por !p2, p0  }
0x20: {  	[sflag:s8] =	ssyncset.s32 @!p0 $0xFFFFF086;
	s6 =	sadd.s32 @!p0 s3, s7;
	s7 =	simm.s32 @!p0 $0x108  }
0x21: {  	s3 =	sadd.s32 s3, s9;
	s6 =	sadd.s32 @!p0 $0x88, s6;
	s7 =	simm.s32 @p2 $0x1082  }
0x22: {  	[simem:s7], [sflag:s8] =	dma.local @!p0 [hbm:s6], $0xF7A  }
0x23: {  	s9 =	sor.u32 $0xD0000000, s2;
	s6 =	simm.s32 $0x108;
	_ =	swait.ge @!p0 [sflag:s8], $0x0  }
0x24: {  	s3 =	sadd.s32 $0x88, s3;
	s6 =	simm.s32 @!p1 $0x1082;
	[sflag:s4] =	ssyncset.s32 $0xFFFFF086  }
0x25: {  	[simem:s6], [sflag:s4] =	dma.local [hbm:s3], $0xF7A  }
0x26: {  	[smem:$0x3F9B] =	sst s1;
	(tag) =	ssettag s2;
	_ =	strace s9  }
0x27: {  	s1 =	sld [smem:$0x3FAB]  }
0x28: {  	s2 =	sld [smem:$0x3FAC]  }
0x29: {  	s4 =	sld [smem:$0x3FAE]  }
0x2a: {  	p0 =	seq.s32 s5, $0x0;
	s5 =	sld [smem:$0x3FAF]  }
0x2b: {  	s6 =	sld [smem:$0x3FB0]  }
0x2c: {  	s7 =	sld [smem:$0x3FB1]  }
0x2d: {  	s3 =	simm.s32 $0x108;
	s8 =	sld [smem:$0x3FB2]  }
0x2e: {  	s3 =	simm.s32 @!p0 $0x1082;
	s9 =	sld [smem:$0x3FB3]  }
0x2f: {  	lr =	sadd.s32 s0, s3;
	s0 =	sld [smem:$0x3FAA]  }
0x30: {  	s3 =	sld [smem:$0x3FAD]  }
0x31: {  	[smem:$0x3FB6] =	sst s10  }
0x32: {  	s10 =	sld [smem:$0x3FB4];
	_ =	sdelay $0x3  }
0x33: {  	p0 =	seq.s32 s10, $0x1;
	s10 =	sld [smem:$0x3FB6];
	_ =	sdelay $0x3  }
0x34: {  	[smem:$0x3FB6] =	sst s10  }
0x35: {  	s10 =	sld [smem:$0x3FB5];
	_ =	sdelay $0x3  }
0x36: {  	p1 =	seq.s32 s10, $0x1;
	s10 =	sld [smem:$0x3FB6];
	_ =	sdelay $0x3  }
0x37: {  	[smem:$0x3FB6] =	sst s10  }
0x38: {  	s10 =	sld [smem:$0x3FB7]  }
0x39: {  	_ = 	snop;
	(pc) =	sbr.ind lr, $3  }
0x3a: {  	_ = 	snop  }
0x3b: {  	_ = 	snop  }
0x3c: {  	p2 =	seq.s32 s10, $0x1;
	s10 =	sld [smem:$0x3FB6]  }
0x3d: {  	_ =	shalt  }
0x3e: {  	_ =	shalt  }
0x3f: {  	_ =	shalt  }
0x40: {  	_ =	shalt  }
0x41: {  	_ =	shalt  }
0x42: {  	_ =	shalt  }
0x43: {  	_ =	shalt  }
0x44: {  	_ =	shalt  }
0x45: {  	_ =	shalt  }
0x46: {  	_ =	shalt  }
0x47: {  	_ =	shalt  }
0x48: {  	_ =	shalt  }
0x49: {  	_ =	shalt  }
0x4a: {  	_ =	shalt  }
0x4b: {  	_ =	shalt  }
0x4c: {  	_ =	shalt  }
0x4d: {  	_ =	shalt  }
0x4e: {  	_ =	shalt  }
0x4f: {  	_ =	shalt  }
0x50: {  	_ =	shalt  }
0x51: {  	_ =	shalt  }
0x52: {  	_ =	shalt  }
0x53: {  	_ =	shalt  }
0x54: {  	_ =	shalt  }
0x55: {  	_ =	shalt  }
0x56: {  	_ =	shalt  }
0x57: {  	_ =	shalt  }
0x58: {  	_ =	shalt  }
0x59: {  	_ =	shalt  }
0x5a: {  	_ =	shalt  }
0x5b: {  	_ =	shalt  }
0x5c: {  	_ =	shalt  }
0x5d: {  	_ =	shalt  }
0x5e: {  	_ =	shalt  }
0x5f: {  	_ =	shalt  }
0x60: {  	_ =	shalt  }
0x61: {  	_ =	shalt  }
0x62: {  	_ =	shalt  }
0x63: {  	_ =	shalt  }
0x64: {  	_ =	shalt  }
0x65: {  	_ =	shalt  }
0x66: {  	_ =	shalt  }
0x67: {  	_ =	shalt  }
0x68: {  	_ =	shalt  }
0x69: {  	_ =	shalt  }
0x6a: {  	_ =	shalt  }
0x6b: {  	_ =	shalt  }
0x6c: {  	_ =	shalt  }
0x6d: {  	_ =	shalt  }
0x6e: {  	_ =	shalt  }
0x6f: {  	_ =	shalt  }
0x70: {  	_ =	shalt  }
0x71: {  	_ =	shalt  }
0x72: {  	_ =	shalt  }
0x73: {  	_ =	shalt  }
0x74: {  	_ =	shalt  }
0x75: {  	_ =	shalt  }
0x76: {  	_ =	shalt  }
0x77: {  	_ =	shalt  }
0x78: {  	_ =	shalt  }
0x79: {  	_ =	shalt  }
0x7a: {  	_ =	shalt  }
0x7b: {  	_ =	shalt  }
0x7c: {  	_ =	shalt  }
0x7d: {  	_ =	shalt  }
0x7e: {  	_ =	shalt  }
0x7f: {  	_ =	shalt  }
0x80: {  	_ =	shalt  }
0x81: {  	_ =	shalt  }
0x82: {  	_ =	shalt  }
0x83: {  	_ =	shalt  }
0x84: {  	_ =	shalt  }
0x85: {  	_ =	shalt  }
0x86: {  	_ =	shalt  }
0x87: {  	_ =	shalt  }
.Lfunc_end0:
.L_simem_size_0:
called_computation.1_lowered:
.L_overlay_start_0:
0x88: {  	s2 =	sld [smem:$0x3FD9]  }
0x89: {  	s3 =	sld [smem:$0x3FFE];
	_ =	sdelay $0x1  }
0x8a: {  	s1 =	srdreg.scid  }
0x8b: {  	s0 =	sand.u32 $0x1, s1  }
0x8c: {  	s16 =	sshll.u32 s0, $0xA;
	s2 =	sadd.s32 s3, s2  }
0x8d: {  	s2 =	sadd.s32 s2, s16  }
0x8e: {  	[smem:$0x3FC2] =	sst s2  }
0x8f: {  	_ = 	snop  }
0x90: {  	(tm) =	ssettm $0x1  }
0x91: {  	s17 =	sld [smem:$0x3FFB];
	_ =	sdelay $0x3  }
0x92: {  	_ =	strace s17  }
0x93: {  	s2 =	sld [smem:$0x3FFC];
	_ =	sdelay $0x3  }
0x94: {  	_ =	strace s2  }
0x95: {  	s2 =	sld [smem:$0x3FFD];
	_ =	sdelay $0x3  }
0x96: {  	_ =	strace s2  }
0x97: {  	_ =	strace $0x8FFFFFFF  }
0x98: {  	s18 =	sld [smem:$0x3FDB];
	_ =	sdelay $0x1  }
0x99: {  	s19 =	simm.s32 $_scs_section_size  }
0x9a: {  	s4 =	simm.s32 $_size__tile_overlayer_lowered;
	s5 =	simm.s32 $_tile_overlayer_lowered  }
0x9b: {  	s22 =	simm.s32 $0x1BFF;
	s21 =	sshll.u32 s5, $0x1;
	s2 =	sadd.s32 s19, s18  }
0x9c: {  	s6 =	simm.s32 $0x0;
	s20 =	sshll.u32 s4, $0x1;
	s4 =	sadd.s32 s21, s2  }
0x9d: {  	[timem:s6], [sflag:s22] =	dma.local [hbm:s4], s20  }
0x9e: {  	_ =	swait.ge [sflag:s22], s20  }
0x9f: {  	s3 =	ssub.s32 $0x0, s20;
	[sflag:s22] =	ssyncset.done $0x0  }
0xa0: {  	[sflag:s22] =	ssyncadd.s32 s3;
	_ =	sdelay $0x1  }
0xa1: {  	s23 =	simm.s32 $0x1B8B  }
0xa2: {  	_ =	swait.ge [sflag:s23], $0x1  }
0xa3: {  	[sflag:s23] =	ssyncset.done $0x0  }
0xa4: {  	s25 =	simm.s32 $0x1B8E;
	s24 =	sld [smem:$0x3FFE];
	[sflag:s23] =	ssyncadd.s32 $0xFFFFFFFF  }
0xa5: {  	s26 =	simm.s32 $execute0_lowered;
	[smem:$0x3FD2] =	sst s25  }
0xa6: {  	s4 =	sshll.u32 s26, $0x1;
	_ =	strace $0x80000049;
	[dreg:$0x1] =	wrdreg $0xFFFFFFFF  }
0xa7: {  	s28 =	simm.s32 $_size_execute0_lowered;
	s2 =	sadd.s32 s2, s4;
	[dreg:$0x0] =	wrdreg $0x0  }
0xa8: {  	s4 =	sshll.u32 s28, $0x1;
	[dreg:$0x2] =	wrdreg s2  }
0xa9: {  	[dreg:$0x3] =	wrdreg s4  }
0xaa: {  	[dreg:$0x4] =	wrdreg $0xC0  }
0xab: {  	_ =	task [dreg:s6], $0x5FFFF  }
0xac: {  	[dreg:$0x1] =	wrdreg $0xFFFFFFFF  }
0xad: {  	[dreg:$0x0] =	wrdreg $0x60  }
0xae: {  	[dreg:$0x2] =	wrdreg s24  }
0xaf: {  	[dreg:$0x3] =	wrdreg $0x84000  }
0xb0: {  	[dreg:$0x4] =	wrdreg $0x9  }
0xb1: {  	_ =	task.clear_ibuf [dreg:s6], $0x5FFFF;
	_ =	strace $0x90000049  }
0xb2: {  	s29 =	simm.s32 $0x9;
	_ =	strace $0x8000004B  }
0xb3: {  	_ =	swait.ge [sflag:s29], $0x1  }
0xb4: {  	[sflag:s29] =	ssyncadd.s32 $0xFFFFFFFF  }
0xb5: {  	_ =	strace $0x9000004B  }
0xb6: {  	_ =	sfence  }
0xb7: {  	s30 =	sld [smem:$0x0];
	_ =	sdelay $0x2  }
0xb8: {  	s31 =	sshll.u32 s1, $0xD;
	s1 =	sshrl.u32 s1, $0x2  }
0xb9: {  	s3 =	sand.u32 $0x4000, s31;
	s1 =	sadd.s32 s1, s30  }
0xba: {  	s0 =	sor.u32 s3, s0;
	s1 =	sshll.u32 s1, $0x11  }
0xbb: {  	s0 =	sor.u32 s1, s0  }
0xbc: {  	s0 =	sadd.s32 $0x8F2B, s0  }
0xbd: {  	[sflag:s0] =	ssyncadd.remote.s32 $0x1  }
0xbe: {  	_ =	sfence.sel $0xFFFF  }
0xbf: {  	[dreg:$0x0] =	wrdreg $0xFFFFFFFF;
	(pc) =	sbr.abs _section_cstart, $3  }
0xc0: {  	[dreg:$0x1] =	wrdreg $0xFFFFFFFF  }
0xc1: {  	_ =	task.clear_ibuf [dreg:s6], $0x2FFFF;
	_ =	strace $0x9FFFFFFF  }
0xc2: {  	(tm) =	ssettm $0x7FFFFFFF  }
0xc3: {  	_ =	shalt  }
tec
execute0_lowered:
.L_overlay_start_1:
0x0: {  	(tag) =	ssettag $0x1  }
0x1: {  	s0 =	rddreg [dreg:$0x0]  }
0x2: {  	s2 =	rddreg [dreg:$0x1]  }
0x3: {  	s1 =	srdreg.scid;
	s11 =	stileid.u32;
	s3 =	simm.s32 $0x0  }
0x4: {  	s13 =	simm.s32 $0x9;
	s14 =	simm.s32 $0x80;
	s15 =	simm.s32 $0x400  }
0x5: {  	s16 =	simm.s32 $0x100;
	s17 =	simm.s32 $0x1;
	s18 =	simm.s32 $0x6  }
0x6: {  	s19 =	simm.s32 $0x4400;
	s20 =	simm.s32 $0x200;
	s29 =	simm.s32 $0x180  }
0x7: {  	s30 =	simm.s32 $0x280;
	s31 =	simm.s32 $0x380;
	s5 =	smul.u32 $0x2800, s11  }
0x8: {  	s28 =	simm.s32 $0x0;
	s1 =	sand.u32 $0x1, s1;
	s7 =	smul.u32 $0x50000, s11  }
0x9: {  	[smem:$0x7FF] =	sst s3;
	s10 =	sadd.s32 $0x54C00, s0;
	s9 =	smul.u32 $0xA0, s11  }
0xa: {  	s8 =	sadd.s32 $0x2400, s0;
	s25 =	sshll.u32 s11, $0x6;
	s11 =	smul.u32 $0x1400, s11  }
0xb: {  	s6 =	smul.u32 $0x28000, s1;
	_ =	strace $0x8000004A;
	[dreg:$0x6] =	wrdreg s8  }
0xc: {  	s4 =	sadd.s32 $0x7CC00, s0;
	s21 =	smul.u32 $0xA00, s1;
	[dreg:$0x3] =	wrdreg s29  }
0xd: {  	s22 =	ssub.s32 $0x2, s1;
	s1 =	smul.u32 $0x14000, s1;
	[dreg:$0x4] =	wrdreg s30  }
0xe: {  	[dreg:$0x5] =	wrdreg s31;
	s23 =	sshrl.u32 s22, $0x1;
	s7 =	sshrl.u32 s7, $0x2  }
0xf: {  	s5 =	sadd.s32 s5, s6;
	s12 =	sadd.s32 s7, s2;
	s24 =	sadd.s32 s9, s21  }
0x10: {  	s6 =	sor.u32 $0x1C09, s25;
	s26 =	sadd.s32 s1, s10;
	s21 =	simm.s32 $0x2  }
0x11: {  	s25 =	simm.s32 $0x4;
	s0 =	sadd.s32 s5, s0;
	s5 =	ssub.s32 s22, s23  }
0x12: {  	s8 =	sshll.u32 s24, $0x5;
	s11 =	sadd.s32 s11, s26;
	s12 =	sshrl.u32 s12, $0x3  }
0x13: {  	s22 =	simm.s32 $0x3;
	s23 =	simm.s32 $0x7;
	s7 =	sadd.s32 s10, s8  }
0x14: {  	s24 =	simm.s32 $0x300;
	s26 =	simm.s32 $0x8;
	s8 =	sadd.s32 $0x20, s7  }
0x15: {  	s9 =	sadd.s32 $0xCAE00, s0;
	s10 =	smax.u32 s5, $0x1;
	[dreg:$0x7] =	wrdreg s8  }
.LBB2_1:
0x16: {  	s0 =	rddreg [dreg:$0x6]  }
0x17: {  	[spmem:s12], [sflag:s6] =	dma.local [hbm:s0], $0x2800  }
0x18: {  	_ =	swait.ge [sflag:s13], $0x2800  }
0x19: {  	[sflag:s13] =	ssyncset.done $0x0  }
0x1a: {  	[sflag:s13] =	ssyncadd.s32 $0xFFFFD800  }
0x1b: {  	[tilespmem:s3], [sflag:$0x9] =	stream.linear.gather [hbm4b:s7+s3], $0x100, $0x38;
	[tilespmem:$0x1C400] =	vst v63  }
0x1c: {  	_ =	swait.ge [sflag:s13], $0x100  }
0x1d: {  	[sflag:s13] =	ssyncset.done $0x0  }
0x1e: {  	[sflag:s13] =	ssyncadd.s32 $0xFFFFFF00  }
0x1f: {  	[bflag:$0x0] =	sbarrier.arrive $0xFFFF  }
0x20: {  	[tilespmem:s15], [sflag:$0x1] =	stream.indirect.gather [hbm4b:s4+s14], $0x80, s3, s14, $0xb8;
	[tilespmem:$0x1C400] =	vst v63  }
0x21: {  	s8 =	rddreg [dreg:$0x7]  }
0x22: {  	[tilespmem:s16], [sflag:$0x6] =	stream.linear.gather [hbm4b:s8+s3], $0x100, $0x38;
	[tilespmem:$0x1C400] =	vst v63  }
0x23: {  	_ =	swait.ge [sflag:s17], $0x4000  }
0x24: {  	p0 =	por $0x1, $0x1;
	[sflag:s17] =	ssyncset.done $0x0  }
0x25: {  	s0 =	simm.s32 @!p0 $0x4;
	[sflag:s17] =	ssyncadd.s32 $0xFFFFC000  }
0x26: {  	[spmem:s2] =	stream.indirect.scatter.add.f32 [tilespmem:s15], [sflag:$0x3], $0x80, s14, s14, $0xb8;
	[tilespmem:$0x1C400] =	vst v63  }
0x27: {  	_ =	swait.ge @!p0 [sflag:s0], $0x4000  }
0x28: {  	[sflag:s0] =	ssyncset.done @!p0 $0x0  }
0x29: {  	[sflag:s0] =	ssyncadd.s32 @!p0 $0xFFFFC000  }
0x2a: {  	_ =	swait.ge [sflag:s18], $0x100  }
0x2b: {  	[sflag:s18] =	ssyncset.done $0x0  }
0x2c: {  	s31 =	sadd.s32 $0x0, s11;
	[sflag:s18] =	ssyncadd.s32 $0xFFFFFF00  }
0x2d: {  	[tilespmem:s19], [sflag:$0x2] =	stream.indirect.gather [hbm4b:s4+s14], $0x80, s16, s14, $0xb8;
	[tilespmem:$0x1C400] =	vst v63  }
0x2e: {  	s1 =	sadd.s32 $0x40, s31  }
0x2f: {  	[tilespmem:s20], [sflag:$0x7] =	stream.linear.gather [hbm4b:s1+s3], $0x100, $0x38;
	[tilespmem:$0x1C400] =	vst v63  }
0x30: {  	_ =	swait.ge [sflag:s21], $0x4000  }
0x31: {  	[sflag:s21] =	ssyncset.done $0x0  }
0x32: {  	s5 =	rddreg [dreg:$0x3];
	[sflag:s21] =	ssyncadd.s32 $0xFFFFC000  }
0x33: {  	[spmem:s2] =	stream.indirect.scatter.add.f32 [tilespmem:s19], [sflag:$0x4], $0x80, s5, s14, $0xb8;
	[tilespmem:$0x1C400] =	vst v63  }
0x34: {  	_ =	swait.ge [sflag:s22], $0x4000  }
0x35: {  	[sflag:s22] =	ssyncset.done $0x0  }
0x36: {  	[sflag:s22] =	ssyncadd.s32 $0xFFFFC000  }
0x37: {  	_ =	swait.ge [sflag:s23], $0x100  }
0x38: {  	[sflag:s23] =	ssyncset.done $0x0  }
0x39: {  	[sflag:s23] =	ssyncadd.s32 $0xFFFFFF00  }
0x3a: {  	[tilespmem:s15], [sflag:$0x1] =	stream.indirect.gather [hbm4b:s4+s14], $0x80, s20, s14, $0xb8;
	[tilespmem:$0x1C400] =	vst v63  }
0x3b: {  	s0 =	sadd.s32 $0x60, s31  }
0x3c: {  	[tilespmem:s24], [sflag:$0x8] =	stream.linear.gather [hbm4b:s0+s3], $0x100, $0x38;
	[tilespmem:$0x1C400] =	vst v63  }
0x3d: {  	_ =	swait.ge [sflag:s17], $0x4000  }
0x3e: {  	[sflag:s17] =	ssyncset.done $0x0  }
0x3f: {  	s8 =	rddreg [dreg:$0x4];
	[sflag:s17] =	ssyncadd.s32 $0xFFFFC000  }
0x40: {  	[spmem:s2] =	stream.indirect.scatter.add.f32 [tilespmem:s15], [sflag:$0x3], $0x80, s8, s14, $0xb8;
	[tilespmem:$0x1C400] =	vst v63  }
0x41: {  	_ =	swait.ge [sflag:s25], $0x4000  }
0x42: {  	[sflag:s25] =	ssyncset.done $0x0  }
0x43: {  	[sflag:s25] =	ssyncadd.s32 $0xFFFFC000  }
0x44: {  	_ =	swait.ge [sflag:s26], $0x100  }
0x45: {  	p0 =	por $0x0, $0x0;
	[sflag:s26] =	ssyncset.done $0x0  }
0x46: {  	s0 =	sadd.s32 @!p0 $0x0, s11;
	[sflag:s26] =	ssyncadd.s32 $0xFFFFFF00  }
0x47: {  	[tilespmem:s19], [sflag:$0x2] =	stream.indirect.gather [hbm4b:s4+s14], $0x80, s24, s14, $0xb8;
	[tilespmem:$0x1C400] =	vst v63  }
0x48: {  	s1 =	simm.s32 @!p0 $0x0;
	s0 =	sadd.s32 @!p0 $0x80, s0  }
0x49: {  	[tilespmem:s1], [sflag:$0x5] =	stream.linear.gather @!p0 [hbm4b:s0+s1], $0x100, $0x38;
	[tilespmem:$0x1C400] =	vst v63  }
0x4a: {  	_ =	swait.ge [sflag:s21], $0x4000  }
0x4b: {  	p1 =	por $0x0, $0x0;
	[sflag:s21] =	ssyncset.done $0x0  }
0x4c: {  	s1 =	simm.s32 @!p1 $0x3;
	s31 =	rddreg [dreg:$0x5];
	[sflag:s21] =	ssyncadd.s32 $0xFFFFC000  }
0x4d: {  	[spmem:s2] =	stream.indirect.scatter.add.f32 [tilespmem:s19], [sflag:$0x4], $0x80, s31, s14, $0xb8;
	[tilespmem:$0x1C400] =	vst v63  }
0x4e: {  	_ =	swait.ge @!p1 [sflag:s1], $0x4000  }
0x4f: {  	[sflag:s1] =	ssyncset.done @!p1 $0x0  }
0x50: {  	s0 =	simm.s32 @!p1 $0x5;
	[sflag:s1] =	ssyncadd.s32 @!p1 $0xFFFFC000  }
0x51: {  	s30 =	simm.s32 $0x0;
	_ =	swait.ge @!p1 [sflag:s0], $0x100  }
0x52: {  	s29 =	simm.s32 @!p1 $0x80;
	s5 =	simm.s32 @!p1 $0x400;
	[sflag:s0] =	ssyncset.done @!p1 $0x0  }
0x53: {  	s1 =	simm.s32 @!p1 $0x0;
	[sflag:s0] =	ssyncadd.s32 @!p1 $0xFFFFFF00;
	s0 =	sadd.s32 @!p1 $0x0, s11  }
0x54: {  	[tilespmem:s5], [sflag:$0x1] =	stream.indirect.gather @!p1 [hbm4b:s4+s29], $0x80, s1, s29, $0xb8;
	[tilespmem:$0x1C400] =	vst v63  }
0x55: {  	s29 =	simm.s32 $0x80;
	s0 =	sadd.s32 @!p1 $0xA0, s0;
	s5 =	simm.s32 @!p1 $0x100  }
.LBB2_2:
0x56: {  	[tilespmem:s5], [sflag:$0x6] =	stream.linear.gather @!p1 [hbm4b:s0+s1], $0x100, $0x38;
	[tilespmem:$0x1C400] =	vst v63  }
0x57: {  	s31 =	smov.u32 s29;
	_ =	swait.ge [sflag:s17], $0x4000  }
0x58: {  	p1 =	seq.s32 s31, $0x0;
	[sflag:s17] =	ssyncset.done $0x0  }
0x59: {  	s0 =	simm.s32 @!p1 $0x4;
	[sflag:s17] =	ssyncadd.s32 $0xFFFFC000  }
0x5a: {  	[spmem:s2] =	stream.indirect.scatter.add.f32 [tilespmem:s15], [sflag:$0x3], $0x80, s14, s14, $0xb8;
	[tilespmem:$0x1C400] =	vst v63  }
0x5b: {  	_ =	swait.ge @!p1 [sflag:s0], $0x4000  }
0x5c: {  	[sflag:s0] =	ssyncset.done @!p1 $0x0  }
0x5d: {  	[sflag:s0] =	ssyncadd.s32 @!p1 $0xFFFFC000  }
0x5e: {  	_ =	swait.ge [sflag:s18], $0x100  }
0x5f: {  	[sflag:s18] =	ssyncset.done $0x0  }
0x60: {  	s0 =	sadd.s32 s31, s11;
	[sflag:s18] =	ssyncadd.s32 $0xFFFFFF00  }
0x61: {  	[tilespmem:s19], [sflag:$0x2] =	stream.indirect.gather [hbm4b:s4+s14], $0x80, s16, s14, $0xb8;
	[tilespmem:$0x1C400] =	vst v63  }
0x62: {  	s5 =	sadd.s32 $0x40, s0  }
0x63: {  	[tilespmem:s20], [sflag:$0x7] =	stream.linear.gather [hbm4b:s5+s3], $0x100, $0x38;
	[tilespmem:$0x1C400] =	vst v63  }
0x64: {  	_ =	swait.ge [sflag:s21], $0x4000  }
0x65: {  	[sflag:s21] =	ssyncset.done $0x0  }
0x66: {  	s8 =	rddreg [dreg:$0x3];
	[sflag:s21] =	ssyncadd.s32 $0xFFFFC000  }
0x67: {  	[spmem:s2] =	stream.indirect.scatter.add.f32 [tilespmem:s19], [sflag:$0x4], $0x80, s8, s14, $0xb8;
	[tilespmem:$0x1C400] =	vst v63  }
0x68: {  	_ =	swait.ge [sflag:s22], $0x4000  }
0x69: {  	[sflag:s22] =	ssyncset.done $0x0  }
0x6a: {  	[sflag:s22] =	ssyncadd.s32 $0xFFFFC000  }
0x6b: {  	_ =	swait.ge [sflag:s23], $0x100  }
0x6c: {  	[sflag:s23] =	ssyncset.done $0x0  }
0x6d: {  	[sflag:s23] =	ssyncadd.s32 $0xFFFFFF00  }
0x6e: {  	[tilespmem:s15], [sflag:$0x1] =	stream.indirect.gather [hbm4b:s4+s14], $0x80, s20, s14, $0xb8;
	[tilespmem:$0x1C400] =	vst v63  }
0x6f: {  	s0 =	sadd.s32 $0x60, s0  }
0x70: {  	[tilespmem:s24], [sflag:$0x8] =	stream.linear.gather [hbm4b:s0+s3], $0x100, $0x38;
	[tilespmem:$0x1C400] =	vst v63  }
0x71: {  	_ =	swait.ge [sflag:s17], $0x4000  }
0x72: {  	[sflag:s17] =	ssyncset.done $0x0  }
0x73: {  	s5 =	rddreg [dreg:$0x4];
	[sflag:s17] =	ssyncadd.s32 $0xFFFFC000  }
0x74: {  	[spmem:s2] =	stream.indirect.scatter.add.f32 [tilespmem:s15], [sflag:$0x3], $0x80, s5, s14, $0xb8;
	[tilespmem:$0x1C400] =	vst v63  }
0x75: {  	_ =	swait.ge [sflag:s25], $0x4000  }
0x76: {  	[sflag:s25] =	ssyncset.done $0x0  }
0x77: {  	[sflag:s25] =	ssyncadd.s32 $0xFFFFC000  }
0x78: {  	_ =	swait.ge [sflag:s26], $0x100  }
0x79: {  	p1 =	seq.s32 s31, $0x1380;
	[sflag:s26] =	ssyncset.done $0x0  }
0x7a: {  	s0 =	sadd.s32 @!p1 s31, s11;
	[sflag:s26] =	ssyncadd.s32 $0xFFFFFF00  }
0x7b: {  	[tilespmem:s19], [sflag:$0x2] =	stream.indirect.gather [hbm4b:s4+s14], $0x80, s24, s14, $0xb8;
	[tilespmem:$0x1C400] =	vst v63  }
0x7c: {  	s1 =	simm.s32 @!p1 $0x0;
	s0 =	sadd.s32 @!p1 $0x80, s0  }
0x7d: {  	[tilespmem:s1], [sflag:$0x5] =	stream.linear.gather @!p1 [hbm4b:s0+s1], $0x100, $0x38;
	[tilespmem:$0x1C400] =	vst v63  }
0x7e: {  	s30 =	sadd.s32 $0x1, s30;
	_ =	swait.ge [sflag:s21], $0x4000  }
0x7f: {  	p1 =	sgt.u32 s30, $0x26;
	[sflag:s21] =	ssyncset.done $0x0  }
0x80: {  	s1 =	simm.s32 @!p1 $0x3;
	s8 =	rddreg [dreg:$0x5];
	[sflag:s21] =	ssyncadd.s32 $0xFFFFC000  }
0x81: {  	[spmem:s2] =	stream.indirect.scatter.add.f32 [tilespmem:s19], [sflag:$0x4], $0x80, s8, s14, $0xb8;
	[tilespmem:$0x1C400] =	vst v63  }
0x82: {  	s29 =	sadd.s32 $0x80, s29;
	s5 =	sadd.s32 @!p1 s31, s11;
	_ =	swait.ge @!p1 [sflag:s1], $0x4000  }
0x83: {  	p0 =	sne.s32 s29, $0x1400;
	s0 =	sadd.s32 @!p1 $0xA0, s5;
	[sflag:s1] =	ssyncset.done @!p1 $0x0  }
.Ltmp0:
0x84: {  	s5 =	simm.s32 @!p1 $0x5;
	[sflag:s1] =	ssyncadd.s32 @!p1 $0xFFFFC000;
	(pc) =	sbr.rel @p0 .LBB2_2-.Ltmp0, $4  }
0x85: {  	_ =	swait.ge @!p1 [sflag:s5], $0x100  }
0x86: {  	s31 =	simm.s32 @!p1 $0x400;
	s8 =	simm.s32 @!p1 $0x80;
	[sflag:s5] =	ssyncset.done @!p1 $0x0  }
0x87: {  	s1 =	simm.s32 @!p1 $0x0;
	[sflag:s5] =	ssyncadd.s32 @!p1 $0xFFFFFF00;
	s5 =	simm.s32 @!p1 $0x100  }
0x88: {  	[tilespmem:s31], [sflag:$0x1] =	stream.indirect.gather @!p1 [hbm4b:s4+s8], $0x80, s1, s8, $0xb8;
	[tilespmem:$0x1C400] =	vst v63  }
0x89: {  	[tilespmem:s5], [sflag:$0x6] =	stream.linear.gather @!p1 [hbm4b:s0+s1], $0x100, $0x38;
	[tilespmem:$0x1C400] =	vst v63  }
0x8a: {  	_ =	swait.ge [sflag:s22], $0x4000  }
0x8b: {  	[sflag:s22] =	ssyncset.done $0x0  }
0x8c: {  	[sflag:s22] =	ssyncadd.s32 $0xFFFFC000  }
0x8d: {  	_ =	swait.ge [sflag:s25], $0x4000  }
0x8e: {  	s28 =	sadd.s32 $0x1, s28;
	[sflag:s25] =	ssyncset.done $0x0  }
0x8f: {  	p0 =	sne.s32 s28, s10;
	[sflag:s25] =	ssyncadd.s32 $0xFFFFC000  }
.Ltmp1:
0x90: {  	[bflag:$0x0] =	sbarrier.arrive $0xFFFF;
	(pc) =	sbr.rel @p0 .LBB2_1-.Ltmp1, $4  }
0x91: {  	[hbm:s9], [sflag:s6] =	dma.local [spmem:s12], $0x2800  }
0x92: {  	_ =	swait.ge [sflag:s13], $0x2800  }
0x93: {  	[sflag:s13] =	ssyncset.done $0x0  }
0x94: {  	[sflag:s13] =	ssyncadd.s32 $0xFFFFD800  }
0x95: {  	_ =	sfence.sel $0x180000  }
0x96: {  	[bflag:$0x0] =	sbarrier.arrive $0xFFFF  }
0x97: {  	_ =	strace $0x9000004A  }
0x98: {  	s0 =	stileid.u32;
	[bflag:$0x2] =	sbarrier.arrive $0xFFFF  }
0x99: {  	p0 =	sne.s32 s0, $0x0;
	s0 =	rddreg [dreg:$0x2]  }
0x9a: {  	s0 =	sadd.s32 @!p0 $0x100000, s0  }
0x9b: {  	[sflag:s0] =	ssyncadd.tile.s32 @!p0 $0x1;
	_ =	shalt  }
.Lfunc_end2:
_tile_overlayer_lowered:
.L_overlay_start_2:
0x9c: {  	(tag) =	ssettag $0x2  }
0x9d: {  	s0 =	rddreg [dreg:$0x0];
	s2 =	stileid.u32  }
0x9e: {  	s1 =	rddreg [dreg:$0x1];
	p0 =	sne.s32 s2, $0x0  }
0x9f: {  	s3 =	rddreg [dreg:$0x2];
	[bflag:$0x3] =	sbarrier.arrive $0xFFFF;
	s2 =	simm.s32 @!p0 $0x1C09  }
0xa0: {  	[timem:s3], [sflag:s2] =	dma.local @!p0 [hbm:s0], s1  }
0xa1: {  	s0 =	simm.s32 @!p0 $0x9  }
0xa2: {  	_ =	swait.ge @!p0 [sflag:s0], s1  }
0xa3: {  	s1 =	ssub.s32 @!p0 $0x0, s1;
	[sflag:s0] =	ssyncset.done @!p0 $0x0  }
0xa4: {  	[sflag:s0] =	ssyncadd.s32 @!p0 s1  }
0xa5: {  	[bflag:$0x3] =	sbarrier.arrive $0xFFFF  }
0xa6: {  	_ =	shalt  }

</sc_bundles>
